<compile_context>
chip_gen: v7x
topology: tpu7x:2x2x1
jax: 0.10.2.dev20260603
libtpu: 0.0.44.dev20260713+nightly
codegen_flags: <defaults>
</compile_context>

<pallas_src>
import functools

import jax
import jax.numpy as jnp
from jax import lax
from jax.experimental import pallas as pl
from jax.experimental.pallas import tpu as pltpu
from jax.experimental.pallas import tpu_sc as plsc

NC = 2
NS = 16
NW = NC * NS
L = 16
B = 128


def _sc_assemble(npad, nblk, chunk):
    mesh = plsc.VectorSubcoreMesh(core_axis_name="c", subcore_axis_name="s")
    wtri = nblk * B

    @functools.partial(
        pl.kernel,
        out_type=jax.ShapeDtypeStruct((NC * npad,), jnp.float32),
        mesh=mesh,
        scratch_types=dict(
            xs_sp=pltpu.VMEM_SHARED((npad,), jnp.float32),
            ys_sp=pltpu.VMEM_SHARED((npad,), jnp.float32),
            us_sp=pltpu.VMEM_SHARED((npad,), jnp.float32),
            acc_sp=pltpu.VMEM_SHARED((npad,), jnp.float32),
            ibig=pltpu.VMEM((wtri,), jnp.int32),
            jbig=pltpu.VMEM((wtri,), jnp.int32),
            kbig=pltpu.VMEM((wtri,), jnp.int32),
            iv=pltpu.VMEM((B,), jnp.int32),
            jv=pltpu.VMEM((B,), jnp.int32),
            kv=pltpu.VMEM((B,), jnp.int32),
            gxi=pltpu.VMEM((B,), jnp.float32),
            gxj=pltpu.VMEM((B,), jnp.float32),
            gxk=pltpu.VMEM((B,), jnp.float32),
            gyi=pltpu.VMEM((B,), jnp.float32),
            gyj=pltpu.VMEM((B,), jnp.float32),
            gyk=pltpu.VMEM((B,), jnp.float32),
            gui=pltpu.VMEM((B,), jnp.float32),
            guj=pltpu.VMEM((B,), jnp.float32),
            guk=pltpu.VMEM((B,), jnp.float32),
            vib=pltpu.VMEM((B,), jnp.float32),
            vjb=pltpu.VMEM((B,), jnp.float32),
            vkb=pltpu.VMEM((B,), jnp.float32),
            sem=pltpu.SemaphoreType.DMA,
        ),
    )
    def body(xs_h, ys_h, us_h, z_h, i_h, j_h, k_h, out_h, *,
             xs_sp, ys_sp, us_sp, acc_sp, ibig, jbig, kbig, iv, jv, kv,
             gxi, gxj, gxk, gyi, gyj, gyk, gui, guj, guk,
             vib, vjb, vkb, sem):
        c = lax.axis_index("c")
        s = lax.axis_index("s")
        wid = c * NS + s

        noff = s * chunk
        pltpu.sync_copy(xs_h.at[pl.ds(noff, chunk)], xs_sp.at[pl.ds(noff, chunk)])
        pltpu.sync_copy(ys_h.at[pl.ds(noff, chunk)], ys_sp.at[pl.ds(noff, chunk)])
        pltpu.sync_copy(us_h.at[pl.ds(noff, chunk)], us_sp.at[pl.ds(noff, chunk)])
        pltpu.sync_copy(z_h.at[pl.ds(noff, chunk)], acc_sp.at[pl.ds(noff, chunk)])
        toff = wid * wtri
        pltpu.sync_copy(i_h.at[pl.ds(toff, wtri)], ibig)
        pltpu.sync_copy(j_h.at[pl.ds(toff, wtri)], jbig)
        pltpu.sync_copy(k_h.at[pl.ds(toff, wtri)], kbig)
        plsc.subcore_barrier()

        def blk(b, carry):
            boff = b * B
            for t in range(B // L):
                sl = pl.ds(t * L, L)
                bsl = pl.ds(boff + t * L, L)
                iv[sl] = ibig[bsl]
                jv[sl] = jbig[bsl]
                kv[sl] = kbig[bsl]
            cps = [
                pltpu.async_copy(xs_sp.at[iv], gxi, sem),
                pltpu.async_copy(xs_sp.at[jv], gxj, sem),
                pltpu.async_copy(xs_sp.at[kv], gxk, sem),
                pltpu.async_copy(ys_sp.at[iv], gyi, sem),
                pltpu.async_copy(ys_sp.at[jv], gyj, sem),
                pltpu.async_copy(ys_sp.at[kv], gyk, sem),
                pltpu.async_copy(us_sp.at[iv], gui, sem),
                pltpu.async_copy(us_sp.at[jv], guj, sem),
                pltpu.async_copy(us_sp.at[kv], guk, sem),
            ]
            for cp in cps:
                cp.wait()
            for t in range(B // L):
                sl = pl.ds(t * L, L)
                xi = gxi[sl]
                xj = gxj[sl]
                xk = gxk[sl]
                yi = gyi[sl]
                yj = gyj[sl]
                yk = gyk[sl]
                ui = gui[sl]
                uj = guj[sl]
                uk = guk[sl]
                nix = yj - yk
                niy = xk - xj
                njx = yk - yi
                njy = xi - xk
                nkx = yi - yj
                nky = xj - xi
                det = njy * nix - niy * njx
                sc = 0.5 / jnp.abs(det)
                mii = (nix * nix + niy * niy) * sc
                mjj = (njx * njx + njy * njy) * sc
                mkk = (nkx * nkx + nky * nky) * sc
                mij = (nix * njx + niy * njy) * sc
                mjk = (njx * nkx + njy * nky) * sc
                mki = (nkx * nix + nky * niy) * sc
                vib[sl] = -(mii * ui + mij * uj + mki * uk)
                vjb[sl] = -(mij * ui + mjj * uj + mjk * uk)
                vkb[sl] = -(mki * ui + mjk * uj + mkk * uk)
            pltpu.sync_copy(vib, acc_sp.at[iv], add=True)
            pltpu.sync_copy(vjb, acc_sp.at[jv], add=True)
            pltpu.sync_copy(vkb, acc_sp.at[kv], add=True)
            return carry

        lax.fori_loop(0, nblk, blk, 0)
        plsc.subcore_barrier()
        pltpu.sync_copy(acc_sp.at[pl.ds(noff, chunk)],
                        out_h.at[pl.ds(c * npad + noff, chunk)])

    return body


def _tc_sum(a_ref, o_ref):
    o_ref[...] = a_ref[0] + a_ref[1]


def kernel(x_comp, u, cell_node_map):
    n = x_comp.shape[0]
    t = cell_node_map.shape[0]
    nblk = -(-t // (NW * B))
    tpad = NW * B * nblk
    npad = -(-(n + 1) // 2048) * 2048
    chunk = npad // NS

    xs = jnp.pad(x_comp[:, 0], (0, npad - n))
    ys = jnp.pad(x_comp[:, 1], (0, npad - n))
    us = jnp.pad(u, (0, npad - n))
    zs = jnp.zeros((npad,), jnp.float32)
    pad_cfg = ((0, tpad - t),)
    i1 = jnp.pad(cell_node_map[:, 0], pad_cfg, constant_values=n)
    j1 = jnp.pad(cell_node_map[:, 1], pad_cfg, constant_values=n)
    k1 = jnp.pad(cell_node_map[:, 2], pad_cfg, constant_values=n)

    partials = _sc_assemble(npad, nblk, chunk)(xs, ys, us, zs, i1, j1, k1)

    summed = pl.pallas_call(
        _tc_sum,
        out_shape=jax.ShapeDtypeStruct((npad // 128, 128), jnp.float32),
    )(partials.reshape(NC, npad // 128, 128))
    return summed.reshape(npad)[:n]

# --- scband reference (transcript-rebuilt; emitter-appended) ---
"""Pipeline reference for scband-fixed-mesh-2-d-35871566856971 (READ-ONLY COPY).

The authoritative reference and input builder live on the scoring server;
editing this copy changes nothing except your own understanding.
"""

import jax, jax.numpy as jnp
import numpy as np

N_NODES = 100489
N_TRI = 199712

def setup_inputs(seed: int = 0):
    key = jax.random.key(seed)
    k1, k2, k3 = jax.random.split(key, 3)
    x_comp = jax.random.uniform(k1, (N_NODES, 2), dtype=jnp.float32)
    u = jax.random.normal(k2, (N_NODES,), dtype=jnp.float32)
    cell_node_map = jax.random.randint(k3, (N_TRI, 3), 0, N_NODES, dtype=jnp.int32)
    return {"x_comp": x_comp, "u": u, "cell_node_map": cell_node_map}

def _assemble_and_apply(x_comp, u, cell_node_map):
    # Faithful JAX port of build_mass_matrix: gather triangle vertex coords,
    # solve per-triangle 3x3 systems for P1 basis slopes, compute local
    # stiffness entries, scatter-add (COO assembly) and apply to u.
    tri = x_comp[cell_node_map]  # [T,3,2] gather
    T = tri.shape[0]
    ones = jnp.ones((T, 3, 1), dtype=tri.dtype)
    A = jnp.concatenate((ones, tri), axis=2)  # [T,3,3]
    B = jnp.broadcast_to(jnp.eye(3, dtype=tri.dtype), (T, 3, 3))
    slopes = jnp.linalg.solve(A, B)  # [T,3,3]
    x = tri[:, :, 0]
    y = tri[:, :, 1]
    area = 0.5 * jnp.abs(x[:, 0] * (y[:, 1] - y[:, 2]) + x[:, 1] * (y[:, 2] - y[:, 0]) + x[:, 2] * (y[:, 0] - y[:, 1]))
    s_i = slopes[:, 1:, 0]
    s_j = slopes[:, 1:, 1]
    s_k = slopes[:, 1:, 2]
    ar = area[:, None]
    Mii = (s_i * s_i * ar).sum(1)
    Mjj = (s_j * s_j * ar).sum(1)
    Mkk = (s_k * s_k * ar).sum(1)
    Mij = (s_i * s_j * ar).sum(1)
    Mjk = (s_j * s_k * ar).sum(1)
    Mki = (s_k * s_i * ar).sum(1)
    i_idx = cell_node_map[:, 0]
    j_idx = cell_node_map[:, 1]
    k_idx = cell_node_map[:, 2]
    row_idx = jnp.concatenate((i_idx, j_idx, k_idx, i_idx, j_idx, k_idx, j_idx, k_idx, i_idx))
    col_idx = jnp.concatenate((i_idx, j_idx, k_idx, j_idx, k_idx, i_idx, i_idx, j_idx, k_idx))
    values = -jnp.concatenate((Mii, Mjj, Mkk, Mij, Mjk, Mki, Mij, Mjk, Mki))
    n = x_comp.shape[0]
    Mu = jnp.zeros((n,), dtype=values.dtype).at[row_idx].add(values * u[col_idx])
    return Mu

def reference(x_comp, u, cell_node_map):
    return _assemble_and_apply(x_comp, u, cell_node_map)

if __name__ == "__main__":
    import jax
    _d = setup_inputs()
    print(jax.jit(kernel)(*tuple(_d.values())))

</pallas_src>

<mosaic_0001>
#map = affine_map<(d0, d1) -> (0)>
module attributes {stable_mosaic.version = 14 : i64} {
  func.func @body(%arg0: i32, %arg1: i32, %arg2: memref<102400xf32, #tpu.memory_space<hbm>>, %arg3: memref<102400xf32, #tpu.memory_space<hbm>>, %arg4: memref<102400xf32, #tpu.memory_space<hbm>>, %arg5: memref<102400xf32, #tpu.memory_space<hbm>>, %arg6: memref<200704xi32, #tpu.memory_space<hbm>>, %arg7: memref<200704xi32, #tpu.memory_space<hbm>>, %arg8: memref<200704xi32, #tpu.memory_space<hbm>>, %arg9: memref<204800xf32, #tpu.memory_space<hbm>>, %arg10: memref<102400xf32, #tpu.memory_space<vmem_shared>>, %arg11: memref<128xf32, #tpu.memory_space<vmem>>, %arg12: memref<128xf32, #tpu.memory_space<vmem>>, %arg13: memref<128xf32, #tpu.memory_space<vmem>>, %arg14: memref<128xf32, #tpu.memory_space<vmem>>, %arg15: memref<128xf32, #tpu.memory_space<vmem>>, %arg16: memref<128xf32, #tpu.memory_space<vmem>>, %arg17: memref<128xf32, #tpu.memory_space<vmem>>, %arg18: memref<128xf32, #tpu.memory_space<vmem>>, %arg19: memref<128xf32, #tpu.memory_space<vmem>>, %arg20: memref<6272xi32, #tpu.memory_space<vmem>>, %arg21: memref<128xi32, #tpu.memory_space<vmem>>, %arg22: memref<6272xi32, #tpu.memory_space<vmem>>, %arg23: memref<128xi32, #tpu.memory_space<vmem>>, %arg24: memref<6272xi32, #tpu.memory_space<vmem>>, %arg25: memref<128xi32, #tpu.memory_space<vmem>>, %arg26: memref<!tpu.dma_semaphore, #tpu.memory_space<semaphore_mem>>, %arg27: memref<102400xf32, #tpu.memory_space<vmem_shared>>, %arg28: memref<128xf32, #tpu.memory_space<vmem>>, %arg29: memref<128xf32, #tpu.memory_space<vmem>>, %arg30: memref<128xf32, #tpu.memory_space<vmem>>, %arg31: memref<102400xf32, #tpu.memory_space<vmem_shared>>, %arg32: memref<102400xf32, #tpu.memory_space<vmem_shared>>) attributes {dimension_semantics = [#tpu.dimension_semantics<core_parallel>, #tpu.dimension_semantics<subcore_parallel>], iteration_bounds = array<i64: 2, 16>, scalar_prefetch = 0 : i64, scratch_operands = 23 : i64, tpu.core_type = #tpu.core_type<sc_vector_subcore>, window_params = [{transform_indices = #map}, {transform_indices = #map}, {transform_indices = #map}, {transform_indices = #map}, {transform_indices = #map}, {transform_indices = #map}, {transform_indices = #map}, {transform_indices = #map}]} {
    %mul3A = arith.constant 16 : i32
    %mul3A_0 = arith.muli %arg0, %mul3A : i32
    %add3A = arith.addi %mul3A_0, %arg1 : i32
    %mul3A_1 = arith.constant 6400 : i32
    %mul3A_2 = arith.muli %arg1, %mul3A_1 : i32
    "tpu.region"() ({
      %run_scoped3A = tpu.sem_alloc : memref<!tpu.dma_semaphore, #tpu.memory_space<semaphore_mem>>
      %dma_start3A = tpu.memref_slice %arg31[%mul3A_2] : memref<102400xf32, #tpu.memory_space<vmem_shared>> -> memref<6400xf32, #tpu.memory_space<vmem_shared>>
      %dma_start3A_14 = tpu.memref_slice %arg2[%mul3A_2] : memref<102400xf32, #tpu.memory_space<hbm>> -> memref<6400xf32, #tpu.memory_space<hbm>>
      tpu.enqueue_dma source(%dma_start3A_14 : memref<6400xf32, #tpu.memory_space<hbm>>) target(%dma_start3A : memref<6400xf32, #tpu.memory_space<vmem_shared>>) target_semaphore(%run_scoped3A : memref<!tpu.dma_semaphore, #tpu.memory_space<semaphore_mem>>)
      %dma_wait3A = tpu.memref_slice %arg31[%mul3A_2] : memref<102400xf32, #tpu.memory_space<vmem_shared>> -> memref<6400xf32, #tpu.memory_space<vmem_shared>>
      %dma_wait3A_15 = tpu.memref_slice %arg2[%mul3A_2] : memref<102400xf32, #tpu.memory_space<hbm>> -> memref<6400xf32, #tpu.memory_space<hbm>>
      tpu.wait_dma2 semaphore(%run_scoped3A : memref<!tpu.dma_semaphore, #tpu.memory_space<semaphore_mem>>) src(%dma_wait3A_15 : memref<6400xf32, #tpu.memory_space<hbm>>) dst(%dma_wait3A : memref<6400xf32, #tpu.memory_space<vmem_shared>>)
      tpu.yield
    }) : () -> ()
    "tpu.region"() ({
      %run_scoped3A = tpu.sem_alloc : memref<!tpu.dma_semaphore, #tpu.memory_space<semaphore_mem>>
      %dma_start3A = tpu.memref_slice %arg32[%mul3A_2] : memref<102400xf32, #tpu.memory_space<vmem_shared>> -> memref<6400xf32, #tpu.memory_space<vmem_shared>>
      %dma_start3A_14 = tpu.memref_slice %arg3[%mul3A_2] : memref<102400xf32, #tpu.memory_space<hbm>> -> memref<6400xf32, #tpu.memory_space<hbm>>
      tpu.enqueue_dma source(%dma_start3A_14 : memref<6400xf32, #tpu.memory_space<hbm>>) target(%dma_start3A : memref<6400xf32, #tpu.memory_space<vmem_shared>>) target_semaphore(%run_scoped3A : memref<!tpu.dma_semaphore, #tpu.memory_space<semaphore_mem>>)
      %dma_wait3A = tpu.memref_slice %arg32[%mul3A_2] : memref<102400xf32, #tpu.memory_space<vmem_shared>> -> memref<6400xf32, #tpu.memory_space<vmem_shared>>
      %dma_wait3A_15 = tpu.memref_slice %arg3[%mul3A_2] : memref<102400xf32, #tpu.memory_space<hbm>> -> memref<6400xf32, #tpu.memory_space<hbm>>
      tpu.wait_dma2 semaphore(%run_scoped3A : memref<!tpu.dma_semaphore, #tpu.memory_space<semaphore_mem>>) src(%dma_wait3A_15 : memref<6400xf32, #tpu.memory_space<hbm>>) dst(%dma_wait3A : memref<6400xf32, #tpu.memory_space<vmem_shared>>)
      tpu.yield
    }) : () -> ()
    "tpu.region"() ({
      %run_scoped3A = tpu.sem_alloc : memref<!tpu.dma_semaphore, #tpu.memory_space<semaphore_mem>>
      %dma_start3A = tpu.memref_slice %arg27[%mul3A_2] : memref<102400xf32, #tpu.memory_space<vmem_shared>> -> memref<6400xf32, #tpu.memory_space<vmem_shared>>
      %dma_start3A_14 = tpu.memref_slice %arg4[%mul3A_2] : memref<102400xf32, #tpu.memory_space<hbm>> -> memref<6400xf32, #tpu.memory_space<hbm>>
      tpu.enqueue_dma source(%dma_start3A_14 : memref<6400xf32, #tpu.memory_space<hbm>>) target(%dma_start3A : memref<6400xf32, #tpu.memory_space<vmem_shared>>) target_semaphore(%run_scoped3A : memref<!tpu.dma_semaphore, #tpu.memory_space<semaphore_mem>>)
      %dma_wait3A = tpu.memref_slice %arg27[%mul3A_2] : memref<102400xf32, #tpu.memory_space<vmem_shared>> -> memref<6400xf32, #tpu.memory_space<vmem_shared>>
      %dma_wait3A_15 = tpu.memref_slice %arg4[%mul3A_2] : memref<102400xf32, #tpu.memory_space<hbm>> -> memref<6400xf32, #tpu.memory_space<hbm>>
      tpu.wait_dma2 semaphore(%run_scoped3A : memref<!tpu.dma_semaphore, #tpu.memory_space<semaphore_mem>>) src(%dma_wait3A_15 : memref<6400xf32, #tpu.memory_space<hbm>>) dst(%dma_wait3A : memref<6400xf32, #tpu.memory_space<vmem_shared>>)
      tpu.yield
    }) : () -> ()
    "tpu.region"() ({
      %run_scoped3A = tpu.sem_alloc : memref<!tpu.dma_semaphore, #tpu.memory_space<semaphore_mem>>
      %dma_start3A = tpu.memref_slice %arg10[%mul3A_2] : memref<102400xf32, #tpu.memory_space<vmem_shared>> -> memref<6400xf32, #tpu.memory_space<vmem_shared>>
      %dma_start3A_14 = tpu.memref_slice %arg5[%mul3A_2] : memref<102400xf32, #tpu.memory_space<hbm>> -> memref<6400xf32, #tpu.memory_space<hbm>>
      tpu.enqueue_dma source(%dma_start3A_14 : memref<6400xf32, #tpu.memory_space<hbm>>) target(%dma_start3A : memref<6400xf32, #tpu.memory_space<vmem_shared>>) target_semaphore(%run_scoped3A : memref<!tpu.dma_semaphore, #tpu.memory_space<semaphore_mem>>)
      %dma_wait3A = tpu.memref_slice %arg10[%mul3A_2] : memref<102400xf32, #tpu.memory_space<vmem_shared>> -> memref<6400xf32, #tpu.memory_space<vmem_shared>>
      %dma_wait3A_15 = tpu.memref_slice %arg5[%mul3A_2] : memref<102400xf32, #tpu.memory_space<hbm>> -> memref<6400xf32, #tpu.memory_space<hbm>>
      tpu.wait_dma2 semaphore(%run_scoped3A : memref<!tpu.dma_semaphore, #tpu.memory_space<semaphore_mem>>) src(%dma_wait3A_15 : memref<6400xf32, #tpu.memory_space<hbm>>) dst(%dma_wait3A : memref<6400xf32, #tpu.memory_space<vmem_shared>>)
      tpu.yield
    }) : () -> ()
    %mul3A_3 = arith.constant 6272 : i32
    %mul3A_4 = arith.muli %add3A, %mul3A_3 : i32
    "tpu.region"() ({
      %run_scoped3A = tpu.sem_alloc : memref<!tpu.dma_semaphore, #tpu.memory_space<semaphore_mem>>
      %dma_start3A = tpu.memref_slice %arg6[%mul3A_4] : memref<200704xi32, #tpu.memory_space<hbm>> -> memref<6272xi32, #tpu.memory_space<hbm>>
      %dma_start3A_14 = tpu.memref_slice %arg6[%mul3A_4] : memref<200704xi32, #tpu.memory_space<hbm>> -> memref<6272xi32, #tpu.memory_space<hbm>>
      tpu.enqueue_dma source(%dma_start3A_14 : memref<6272xi32, #tpu.memory_space<hbm>>) target(%arg20 : memref<6272xi32, #tpu.memory_space<vmem>>) target_semaphore(%run_scoped3A : memref<!tpu.dma_semaphore, #tpu.memory_space<semaphore_mem>>)
      %dma_wait3A = tpu.memref_slice %arg6[%mul3A_4] : memref<200704xi32, #tpu.memory_space<hbm>> -> memref<6272xi32, #tpu.memory_space<hbm>>
      %dma_wait3A_15 = tpu.memref_slice %arg6[%mul3A_4] : memref<200704xi32, #tpu.memory_space<hbm>> -> memref<6272xi32, #tpu.memory_space<hbm>>
      tpu.wait_dma2 semaphore(%run_scoped3A : memref<!tpu.dma_semaphore, #tpu.memory_space<semaphore_mem>>) src(%dma_wait3A_15 : memref<6272xi32, #tpu.memory_space<hbm>>) dst(%arg20 : memref<6272xi32, #tpu.memory_space<vmem>>)
      tpu.yield
    }) : () -> ()
    "tpu.region"() ({
      %run_scoped3A = tpu.sem_alloc : memref<!tpu.dma_semaphore, #tpu.memory_space<semaphore_mem>>
      %dma_start3A = tpu.memref_slice %arg7[%mul3A_4] : memref<200704xi32, #tpu.memory_space<hbm>> -> memref<6272xi32, #tpu.memory_space<hbm>>
      %dma_start3A_14 = tpu.memref_slice %arg7[%mul3A_4] : memref<200704xi32, #tpu.memory_space<hbm>> -> memref<6272xi32, #tpu.memory_space<hbm>>
      tpu.enqueue_dma source(%dma_start3A_14 : memref<6272xi32, #tpu.memory_space<hbm>>) target(%arg22 : memref<6272xi32, #tpu.memory_space<vmem>>) target_semaphore(%run_scoped3A : memref<!tpu.dma_semaphore, #tpu.memory_space<semaphore_mem>>)
      %dma_wait3A = tpu.memref_slice %arg7[%mul3A_4] : memref<200704xi32, #tpu.memory_space<hbm>> -> memref<6272xi32, #tpu.memory_space<hbm>>
      %dma_wait3A_15 = tpu.memref_slice %arg7[%mul3A_4] : memref<200704xi32, #tpu.memory_space<hbm>> -> memref<6272xi32, #tpu.memory_space<hbm>>
      tpu.wait_dma2 semaphore(%run_scoped3A : memref<!tpu.dma_semaphore, #tpu.memory_space<semaphore_mem>>) src(%dma_wait3A_15 : memref<6272xi32, #tpu.memory_space<hbm>>) dst(%arg22 : memref<6272xi32, #tpu.memory_space<vmem>>)
      tpu.yield
    }) : () -> ()
    "tpu.region"() ({
      %run_scoped3A = tpu.sem_alloc : memref<!tpu.dma_semaphore, #tpu.memory_space<semaphore_mem>>
      %dma_start3A = tpu.memref_slice %arg8[%mul3A_4] : memref<200704xi32, #tpu.memory_space<hbm>> -> memref<6272xi32, #tpu.memory_space<hbm>>
      %dma_start3A_14 = tpu.memref_slice %arg8[%mul3A_4] : memref<200704xi32, #tpu.memory_space<hbm>> -> memref<6272xi32, #tpu.memory_space<hbm>>
      tpu.enqueue_dma source(%dma_start3A_14 : memref<6272xi32, #tpu.memory_space<hbm>>) target(%arg24 : memref<6272xi32, #tpu.memory_space<vmem>>) target_semaphore(%run_scoped3A : memref<!tpu.dma_semaphore, #tpu.memory_space<semaphore_mem>>)
      %dma_wait3A = tpu.memref_slice %arg8[%mul3A_4] : memref<200704xi32, #tpu.memory_space<hbm>> -> memref<6272xi32, #tpu.memory_space<hbm>>
      %dma_wait3A_15 = tpu.memref_slice %arg8[%mul3A_4] : memref<200704xi32, #tpu.memory_space<hbm>> -> memref<6272xi32, #tpu.memory_space<hbm>>
      tpu.wait_dma2 semaphore(%run_scoped3A : memref<!tpu.dma_semaphore, #tpu.memory_space<semaphore_mem>>) src(%dma_wait3A_15 : memref<6272xi32, #tpu.memory_space<hbm>>) dst(%arg24 : memref<6272xi32, #tpu.memory_space<vmem>>)
      tpu.yield
    }) : () -> ()
    %barrier3A = arith.constant 0 : index
    tpu.barrier barrier_id(%barrier3A)
    %scan3A = arith.constant 0 : i32
    %scan3A_5 = arith.constant 0 : i32
    %scan3A_6 = arith.constant 49 : i32
    %scan3A_7 = arith.addi %scan3A_5, %scan3A_6 : i32
    %scan3A_8 = arith.constant 1 : i32
    scf.for %scan3A_14 = %scan3A_5 to %scan3A_7 step %scan3A_8  : i32 {
      %mul3A_15 = arith.constant 128 : i32
      %mul3A_16 = arith.muli %scan3A_14, %mul3A_15 : i32
      %add3A_17 = arith.constant 0 : i32
      %add3A_18 = arith.addi %mul3A_16, %add3A_17 : i32
      %get3A = arith.index_cast %add3A_18 : i32 to index
      %get3A_19 = tpu.vector_load %arg20[%get3A] {strides = array<i32>} : memref<6272xi32, #tpu.memory_space<vmem>>, vector<16xi32>,
      %get3A_20 = vector.shape_cast %get3A_19 : vector<16xi32> to vector<16xi32>
      %swap3A = arith.constant 0 : index
      %swap3A_21 = tpu.vector_load %arg21[%swap3A] {strides = array<i32>} : memref<128xi32, #tpu.memory_space<vmem>>, vector<16xi32>,
      %swap3A_22 = vector.shape_cast %swap3A_21 : vector<16xi32> to vector<16xi32>
      %swap3A_23 = vector.shape_cast %get3A_20 : vector<16xi32> to vector<16xi32>
      tpu.vector_store %arg21[%swap3A], %swap3A_23 {strides = array<i32>} : memref<128xi32, #tpu.memory_space<vmem>>, vector<16xi32>,
      %get3A_24 = arith.index_cast %add3A_18 : i32 to index
      %get3A_25 = tpu.vector_load %arg22[%get3A_24] {strides = array<i32>} : memref<6272xi32, #tpu.memory_space<vmem>>, vector<16xi32>,
      %get3A_26 = vector.shape_cast %get3A_25 : vector<16xi32> to vector<16xi32>
      %swap3A_27 = arith.constant 0 : index
      %swap3A_28 = tpu.vector_load %arg23[%swap3A_27] {strides = array<i32>} : memref<128xi32, #tpu.memory_space<vmem>>, vector<16xi32>,
      %swap3A_29 = vector.shape_cast %swap3A_28 : vector<16xi32> to vector<16xi32>
      %swap3A_30 = vector.shape_cast %get3A_26 : vector<16xi32> to vector<16xi32>
      tpu.vector_store %arg23[%swap3A_27], %swap3A_30 {strides = array<i32>} : memref<128xi32, #tpu.memory_space<vmem>>, vector<16xi32>,
      %get3A_31 = arith.index_cast %add3A_18 : i32 to index
      %get3A_32 = tpu.vector_load %arg24[%get3A_31] {strides = array<i32>} : memref<6272xi32, #tpu.memory_space<vmem>>, vector<16xi32>,
      %get3A_33 = vector.shape_cast %get3A_32 : vector<16xi32> to vector<16xi32>
      %swap3A_34 = arith.constant 0 : index
      %swap3A_35 = tpu.vector_load %arg25[%swap3A_34] {strides = array<i32>} : memref<128xi32, #tpu.memory_space<vmem>>, vector<16xi32>,
      %swap3A_36 = vector.shape_cast %swap3A_35 : vector<16xi32> to vector<16xi32>
      %swap3A_37 = vector.shape_cast %get3A_33 : vector<16xi32> to vector<16xi32>
      tpu.vector_store %arg25[%swap3A_34], %swap3A_37 {strides = array<i32>} : memref<128xi32, #tpu.memory_space<vmem>>, vector<16xi32>,
      %add3A_38 = arith.constant 16 : i32
      %add3A_39 = arith.addi %mul3A_16, %add3A_38 : i32
      %get3A_40 = arith.index_cast %add3A_39 : i32 to index
      %get3A_41 = tpu.vector_load %arg20[%get3A_40] {strides = array<i32>} : memref<6272xi32, #tpu.memory_space<vmem>>, vector<16xi32>,
      %get3A_42 = vector.shape_cast %get3A_41 : vector<16xi32> to vector<16xi32>
      %swap3A_43 = arith.constant 16 : index
      %swap3A_44 = tpu.vector_load %arg21[%swap3A_43] {strides = array<i32>} : memref<128xi32, #tpu.memory_space<vmem>>, vector<16xi32>,
      %swap3A_45 = vector.shape_cast %swap3A_44 : vector<16xi32> to vector<16xi32>
      %swap3A_46 = vector.shape_cast %get3A_42 : vector<16xi32> to vector<16xi32>
      tpu.vector_store %arg21[%swap3A_43], %swap3A_46 {strides = array<i32>} : memref<128xi32, #tpu.memory_space<vmem>>, vector<16xi32>,
      %get3A_47 = arith.index_cast %add3A_39 : i32 to index
      %get3A_48 = tpu.vector_load %arg22[%get3A_47] {strides = array<i32>} : memref<6272xi32, #tpu.memory_space<vmem>>, vector<16xi32>,
      %get3A_49 = vector.shape_cast %get3A_48 : vector<16xi32> to vector<16xi32>
      %swap3A_50 = arith.constant 16 : index
      %swap3A_51 = tpu.vector_load %arg23[%swap3A_50] {strides = array<i32>} : memref<128xi32, #tpu.memory_space<vmem>>, vector<16xi32>,
      %swap3A_52 = vector.shape_cast %swap3A_51 : vector<16xi32> to vector<16xi32>
      %swap3A_53 = vector.shape_cast %get3A_49 : vector<16xi32> to vector<16xi32>
      tpu.vector_store %arg23[%swap3A_50], %swap3A_53 {strides = array<i32>} : memref<128xi32, #tpu.memory_space<vmem>>, vector<16xi32>,
      %get3A_54 = arith.index_cast %add3A_39 : i32 to index
      %get3A_55 = tpu.vector_load %arg24[%get3A_54] {strides = array<i32>} : memref<6272xi32, #tpu.memory_space<vmem>>, vector<16xi32>,
      %get3A_56 = vector.shape_cast %get3A_55 : vector<16xi32> to vector<16xi32>
      %swap3A_57 = arith.constant 16 : index
      %swap3A_58 = tpu.vector_load %arg25[%swap3A_57] {strides = array<i32>} : memref<128xi32, #tpu.memory_space<vmem>>, vector<16xi32>,
      %swap3A_59 = vector.shape_cast %swap3A_58 : vector<16xi32> to vector<16xi32>
      %swap3A_60 = vector.shape_cast %get3A_56 : vector<16xi32> to vector<16xi32>
      tpu.vector_store %arg25[%swap3A_57], %swap3A_60 {strides = array<i32>} : memref<128xi32, #tpu.memory_space<vmem>>, vector<16xi32>,
      %add3A_61 = arith.constant 32 : i32
      %add3A_62 = arith.addi %mul3A_16, %add3A_61 : i32
      %get3A_63 = arith.index_cast %add3A_62 : i32 to index
      %get3A_64 = tpu.vector_load %arg20[%get3A_63] {strides = array<i32>} : memref<6272xi32, #tpu.memory_space<vmem>>, vector<16xi32>,
      %get3A_65 = vector.shape_cast %get3A_64 : vector<16xi32> to vector<16xi32>
      %swap3A_66 = arith.constant 32 : index
      %swap3A_67 = tpu.vector_load %arg21[%swap3A_66] {strides = array<i32>} : memref<128xi32, #tpu.memory_space<vmem>>, vector<16xi32>,
      %swap3A_68 = vector.shape_cast %swap3A_67 : vector<16xi32> to vector<16xi32>
      %swap3A_69 = vector.shape_cast %get3A_65 : vector<16xi32> to vector<16xi32>
      tpu.vector_store %arg21[%swap3A_66], %swap3A_69 {strides = array<i32>} : memref<128xi32, #tpu.memory_space<vmem>>, vector<16xi32>,
      %get3A_70 = arith.index_cast %add3A_62 : i32 to index
      %get3A_71 = tpu.vector_load %arg22[%get3A_70] {strides = array<i32>} : memref<6272xi32, #tpu.memory_space<vmem>>, vector<16xi32>,
      %get3A_72 = vector.shape_cast %get3A_71 : vector<16xi32> to vector<16xi32>
      %swap3A_73 = arith.constant 32 : index
      %swap3A_74 = tpu.vector_load %arg23[%swap3A_73] {strides = array<i32>} : memref<128xi32, #tpu.memory_space<vmem>>, vector<16xi32>,
      %swap3A_75 = vector.shape_cast %swap3A_74 : vector<16xi32> to vector<16xi32>
      %swap3A_76 = vector.shape_cast %get3A_72 : vector<16xi32> to vector<16xi32>
      tpu.vector_store %arg23[%swap3A_73], %swap3A_76 {strides = array<i32>} : memref<128xi32, #tpu.memory_space<vmem>>, vector<16xi32>,
      %get3A_77 = arith.index_cast %add3A_62 : i32 to index
      %get3A_78 = tpu.vector_load %arg24[%get3A_77] {strides = array<i32>} : memref<6272xi32, #tpu.memory_space<vmem>>, vector<16xi32>,
      %get3A_79 = vector.shape_cast %get3A_78 : vector<16xi32> to vector<16xi32>
      %swap3A_80 = arith.constant 32 : index
      %swap3A_81 = tpu.vector_load %arg25[%swap3A_80] {strides = array<i32>} : memref<128xi32, #tpu.memory_space<vmem>>, vector<16xi32>,
      %swap3A_82 = vector.shape_cast %swap3A_81 : vector<16xi32> to vector<16xi32>
      %swap3A_83 = vector.shape_cast %get3A_79 : vector<16xi32> to vector<16xi32>
      tpu.vector_store %arg25[%swap3A_80], %swap3A_83 {strides = array<i32>} : memref<128xi32, #tpu.memory_space<vmem>>, vector<16xi32>,
      %add3A_84 = arith.constant 48 : i32
      %add3A_85 = arith.addi %mul3A_16, %add3A_84 : i32
      %get3A_86 = arith.index_cast %add3A_85 : i32 to index
      %get3A_87 = tpu.vector_load %arg20[%get3A_86] {strides = array<i32>} : memref<6272xi32, #tpu.memory_space<vmem>>, vector<16xi32>,
      %get3A_88 = vector.shape_cast %get3A_87 : vector<16xi32> to vector<16xi32>
      %swap3A_89 = arith.constant 48 : index
      %swap3A_90 = tpu.vector_load %arg21[%swap3A_89] {strides = array<i32>} : memref<128xi32, #tpu.memory_space<vmem>>, vector<16xi32>,
      %swap3A_91 = vector.shape_cast %swap3A_90 : vector<16xi32> to vector<16xi32>
      %swap3A_92 = vector.shape_cast %get3A_88 : vector<16xi32> to vector<16xi32>
      tpu.vector_store %arg21[%swap3A_89], %swap3A_92 {strides = array<i32>} : memref<128xi32, #tpu.memory_space<vmem>>, vector<16xi32>,
      %get3A_93 = arith.index_cast %add3A_85 : i32 to index
      %get3A_94 = tpu.vector_load %arg22[%get3A_93] {strides = array<i32>} : memref<6272xi32, #tpu.memory_space<vmem>>, vector<16xi32>,
      %get3A_95 = vector.shape_cast %get3A_94 : vector<16xi32> to vector<16xi32>
      %swap3A_96 = arith.constant 48 : index
      %swap3A_97 = tpu.vector_load %arg23[%swap3A_96] {strides = array<i32>} : memref<128xi32, #tpu.memory_space<vmem>>, vector<16xi32>,
      %swap3A_98 = vector.shape_cast %swap3A_97 : vector<16xi32> to vector<16xi32>
      %swap3A_99 = vector.shape_cast %get3A_95 : vector<16xi32> to vector<16xi32>
      tpu.vector_store %arg23[%swap3A_96], %swap3A_99 {strides = array<i32>} : memref<128xi32, #tpu.memory_space<vmem>>, vector<16xi32>,
      %get3A_100 = arith.index_cast %add3A_85 : i32 to index
      %get3A_101 = tpu.vector_load %arg24[%get3A_100] {strides = array<i32>} : memref<6272xi32, #tpu.memory_space<vmem>>, vector<16xi32>,
      %get3A_102 = vector.shape_cast %get3A_101 : vector<16xi32> to vector<16xi32>
      %swap3A_103 = arith.constant 48 : index
      %swap3A_104 = tpu.vector_load %arg25[%swap3A_103] {strides = array<i32>} : memref<128xi32, #tpu.memory_space<vmem>>, vector<16xi32>,
      %swap3A_105 = vector.shape_cast %swap3A_104 : vector<16xi32> to vector<16xi32>
      %swap3A_106 = vector.shape_cast %get3A_102 : vector<16xi32> to vector<16xi32>
      tpu.vector_store %arg25[%swap3A_103], %swap3A_106 {strides = array<i32>} : memref<128xi32, #tpu.memory_space<vmem>>, vector<16xi32>,
      %add3A_107 = arith.constant 64 : i32
      %add3A_108 = arith.addi %mul3A_16, %add3A_107 : i32
      %get3A_109 = arith.index_cast %add3A_108 : i32 to index
      %get3A_110 = tpu.vector_load %arg20[%get3A_109] {strides = array<i32>} : memref<6272xi32, #tpu.memory_space<vmem>>, vector<16xi32>,
      %get3A_111 = vector.shape_cast %get3A_110 : vector<16xi32> to vector<16xi32>
      %swap3A_112 = arith.constant 64 : index
      %swap3A_113 = tpu.vector_load %arg21[%swap3A_112] {strides = array<i32>} : memref<128xi32, #tpu.memory_space<vmem>>, vector<16xi32>,
      %swap3A_114 = vector.shape_cast %swap3A_113 : vector<16xi32> to vector<16xi32>
      %swap3A_115 = vector.shape_cast %get3A_111 : vector<16xi32> to vector<16xi32>
      tpu.vector_store %arg21[%swap3A_112], %swap3A_115 {strides = array<i32>} : memref<128xi32, #tpu.memory_space<vmem>>, vector<16xi32>,
      %get3A_116 = arith.index_cast %add3A_108 : i32 to index
      %get3A_117 = tpu.vector_load %arg22[%get3A_116] {strides = array<i32>} : memref<6272xi32, #tpu.memory_space<vmem>>, vector<16xi32>,
      %get3A_118 = vector.shape_cast %get3A_117 : vector<16xi32> to vector<16xi32>
      %swap3A_119 = arith.constant 64 : index
      %swap3A_120 = tpu.vector_load %arg23[%swap3A_119] {strides = array<i32>} : memref<128xi32, #tpu.memory_space<vmem>>, vector<16xi32>,
      %swap3A_121 = vector.shape_cast %swap3A_120 : vector<16xi32> to vector<16xi32>
      %swap3A_122 = vector.shape_cast %get3A_118 : vector<16xi32> to vector<16xi32>
      tpu.vector_store %arg23[%swap3A_119], %swap3A_122 {strides = array<i32>} : memref<128xi32, #tpu.memory_space<vmem>>, vector<16xi32>,
      %get3A_123 = arith.index_cast %add3A_108 : i32 to index
      %get3A_124 = tpu.vector_load %arg24[%get3A_123] {strides = array<i32>} : memref<6272xi32, #tpu.memory_space<vmem>>, vector<16xi32>,
      %get3A_125 = vector.shape_cast %get3A_124 : vector<16xi32> to vector<16xi32>
      %swap3A_126 = arith.constant 64 : index
      %swap3A_127 = tpu.vector_load %arg25[%swap3A_126] {strides = array<i32>} : memref<128xi32, #tpu.memory_space<vmem>>, vector<16xi32>,
      %swap3A_128 = vector.shape_cast %swap3A_127 : vector<16xi32> to vector<16xi32>
      %swap3A_129 = vector.shape_cast %get3A_125 : vector<16xi32> to vector<16xi32>
      tpu.vector_store %arg25[%swap3A_126], %swap3A_129 {strides = array<i32>} : memref<128xi32, #tpu.memory_space<vmem>>, vector<16xi32>,
      %add3A_130 = arith.constant 80 : i32
      %add3A_131 = arith.addi %mul3A_16, %add3A_130 : i32
      %get3A_132 = arith.index_cast %add3A_131 : i32 to index
      %get3A_133 = tpu.vector_load %arg20[%get3A_132] {strides = array<i32>} : memref<6272xi32, #tpu.memory_space<vmem>>, vector<16xi32>,
      %get3A_134 = vector.shape_cast %get3A_133 : vector<16xi32> to vector<16xi32>
      %swap3A_135 = arith.constant 80 : index
      %swap3A_136 = tpu.vector_load %arg21[%swap3A_135] {strides = array<i32>} : memref<128xi32, #tpu.memory_space<vmem>>, vector<16xi32>,
      %swap3A_137 = vector.shape_cast %swap3A_136 : vector<16xi32> to vector<16xi32>
      %swap3A_138 = vector.shape_cast %get3A_134 : vector<16xi32> to vector<16xi32>
      tpu.vector_store %arg21[%swap3A_135], %swap3A_138 {strides = array<i32>} : memref<128xi32, #tpu.memory_space<vmem>>, vector<16xi32>,
      %get3A_139 = arith.index_cast %add3A_131 : i32 to index
      %get3A_140 = tpu.vector_load %arg22[%get3A_139] {strides = array<i32>} : memref<6272xi32, #tpu.memory_space<vmem>>, vector<16xi32>,
      %get3A_141 = vector.shape_cast %get3A_140 : vector<16xi32> to vector<16xi32>
      %swap3A_142 = arith.constant 80 : index
      %swap3A_143 = tpu.vector_load %arg23[%swap3A_142] {strides = array<i32>} : memref<128xi32, #tpu.memory_space<vmem>>, vector<16xi32>,
      %swap3A_144 = vector.shape_cast %swap3A_143 : vector<16xi32> to vector<16xi32>
      %swap3A_145 = vector.shape_cast %get3A_141 : vector<16xi32> to vector<16xi32>
      tpu.vector_store %arg23[%swap3A_142], %swap3A_145 {strides = array<i32>} : memref<128xi32, #tpu.memory_space<vmem>>, vector<16xi32>,
      %get3A_146 = arith.index_cast %add3A_131 : i32 to index
      %get3A_147 = tpu.vector_load %arg24[%get3A_146] {strides = array<i32>} : memref<6272xi32, #tpu.memory_space<vmem>>, vector<16xi32>,
      %get3A_148 = vector.shape_cast %get3A_147 : vector<16xi32> to vector<16xi32>
      %swap3A_149 = arith.constant 80 : index
      %swap3A_150 = tpu.vector_load %arg25[%swap3A_149] {strides = array<i32>} : memref<128xi32, #tpu.memory_space<vmem>>, vector<16xi32>,
      %swap3A_151 = vector.shape_cast %swap3A_150 : vector<16xi32> to vector<16xi32>
      %swap3A_152 = vector.shape_cast %get3A_148 : vector<16xi32> to vector<16xi32>
      tpu.vector_store %arg25[%swap3A_149], %swap3A_152 {strides = array<i32>} : memref<128xi32, #tpu.memory_space<vmem>>, vector<16xi32>,
      %add3A_153 = arith.constant 96 : i32
      %add3A_154 = arith.addi %mul3A_16, %add3A_153 : i32
      %get3A_155 = arith.index_cast %add3A_154 : i32 to index
      %get3A_156 = tpu.vector_load %arg20[%get3A_155] {strides = array<i32>} : memref<6272xi32, #tpu.memory_space<vmem>>, vector<16xi32>,
      %get3A_157 = vector.shape_cast %get3A_156 : vector<16xi32> to vector<16xi32>
      %swap3A_158 = arith.constant 96 : index
      %swap3A_159 = tpu.vector_load %arg21[%swap3A_158] {strides = array<i32>} : memref<128xi32, #tpu.memory_space<vmem>>, vector<16xi32>,
      %swap3A_160 = vector.shape_cast %swap3A_159 : vector<16xi32> to vector<16xi32>
      %swap3A_161 = vector.shape_cast %get3A_157 : vector<16xi32> to vector<16xi32>
      tpu.vector_store %arg21[%swap3A_158], %swap3A_161 {strides = array<i32>} : memref<128xi32, #tpu.memory_space<vmem>>, vector<16xi32>,
      %get3A_162 = arith.index_cast %add3A_154 : i32 to index
      %get3A_163 = tpu.vector_load %arg22[%get3A_162] {strides = array<i32>} : memref<6272xi32, #tpu.memory_space<vmem>>, vector<16xi32>,
      %get3A_164 = vector.shape_cast %get3A_163 : vector<16xi32> to vector<16xi32>
      %swap3A_165 = arith.constant 96 : index
      %swap3A_166 = tpu.vector_load %arg23[%swap3A_165] {strides = array<i32>} : memref<128xi32, #tpu.memory_space<vmem>>, vector<16xi32>,
      %swap3A_167 = vector.shape_cast %swap3A_166 : vector<16xi32> to vector<16xi32>
      %swap3A_168 = vector.shape_cast %get3A_164 : vector<16xi32> to vector<16xi32>
      tpu.vector_store %arg23[%swap3A_165], %swap3A_168 {strides = array<i32>} : memref<128xi32, #tpu.memory_space<vmem>>, vector<16xi32>,
      %get3A_169 = arith.index_cast %add3A_154 : i32 to index
      %get3A_170 = tpu.vector_load %arg24[%get3A_169] {strides = array<i32>} : memref<6272xi32, #tpu.memory_space<vmem>>, vector<16xi32>,
      %get3A_171 = vector.shape_cast %get3A_170 : vector<16xi32> to vector<16xi32>
      %swap3A_172 = arith.constant 96 : index
      %swap3A_173 = tpu.vector_load %arg25[%swap3A_172] {strides = array<i32>} : memref<128xi32, #tpu.memory_space<vmem>>, vector<16xi32>,
      %swap3A_174 = vector.shape_cast %swap3A_173 : vector<16xi32> to vector<16xi32>
      %swap3A_175 = vector.shape_cast %get3A_171 : vector<16xi32> to vector<16xi32>
      tpu.vector_store %arg25[%swap3A_172], %swap3A_175 {strides = array<i32>} : memref<128xi32, #tpu.memory_space<vmem>>, vector<16xi32>,
      %add3A_176 = arith.constant 112 : i32
      %add3A_177 = arith.addi %mul3A_16, %add3A_176 : i32
      %get3A_178 = arith.index_cast %add3A_177 : i32 to index
      %get3A_179 = tpu.vector_load %arg20[%get3A_178] {strides = array<i32>} : memref<6272xi32, #tpu.memory_space<vmem>>, vector<16xi32>,
      %get3A_180 = vector.shape_cast %get3A_179 : vector<16xi32> to vector<16xi32>
      %swap3A_181 = arith.constant 112 : index
      %swap3A_182 = tpu.vector_load %arg21[%swap3A_181] {strides = array<i32>} : memref<128xi32, #tpu.memory_space<vmem>>, vector<16xi32>,
      %swap3A_183 = vector.shape_cast %swap3A_182 : vector<16xi32> to vector<16xi32>
      %swap3A_184 = vector.shape_cast %get3A_180 : vector<16xi32> to vector<16xi32>
      tpu.vector_store %arg21[%swap3A_181], %swap3A_184 {strides = array<i32>} : memref<128xi32, #tpu.memory_space<vmem>>, vector<16xi32>,
      %get3A_185 = arith.index_cast %add3A_177 : i32 to index
      %get3A_186 = tpu.vector_load %arg22[%get3A_185] {strides = array<i32>} : memref<6272xi32, #tpu.memory_space<vmem>>, vector<16xi32>,
      %get3A_187 = vector.shape_cast %get3A_186 : vector<16xi32> to vector<16xi32>
      %swap3A_188 = arith.constant 112 : index
      %swap3A_189 = tpu.vector_load %arg23[%swap3A_188] {strides = array<i32>} : memref<128xi32, #tpu.memory_space<vmem>>, vector<16xi32>,
      %swap3A_190 = vector.shape_cast %swap3A_189 : vector<16xi32> to vector<16xi32>
      %swap3A_191 = vector.shape_cast %get3A_187 : vector<16xi32> to vector<16xi32>
      tpu.vector_store %arg23[%swap3A_188], %swap3A_191 {strides = array<i32>} : memref<128xi32, #tpu.memory_space<vmem>>, vector<16xi32>,
      %get3A_192 = arith.index_cast %add3A_177 : i32 to index
      %get3A_193 = tpu.vector_load %arg24[%get3A_192] {strides = array<i32>} : memref<6272xi32, #tpu.memory_space<vmem>>, vector<16xi32>,
      %get3A_194 = vector.shape_cast %get3A_193 : vector<16xi32> to vector<16xi32>
      %swap3A_195 = arith.constant 112 : index
      %swap3A_196 = tpu.vector_load %arg25[%swap3A_195] {strides = array<i32>} : memref<128xi32, #tpu.memory_space<vmem>>, vector<16xi32>,
      %swap3A_197 = vector.shape_cast %swap3A_196 : vector<16xi32> to vector<16xi32>
      %swap3A_198 = vector.shape_cast %get3A_194 : vector<16xi32> to vector<16xi32>
      tpu.vector_store %arg25[%swap3A_195], %swap3A_198 {strides = array<i32>} : memref<128xi32, #tpu.memory_space<vmem>>, vector<16xi32>,
      %dma_start3A = arith.constant 0 : i32
      %dma_start3A_199 = tpu.memref_slice %arg31[%dma_start3A] : memref<102400xf32, #tpu.memory_space<vmem_shared>> -> memref<102400xf32, #tpu.memory_space<vmem_shared>>
      tpu.enqueue_indirect_dma source(%dma_start3A_199 : memref<102400xf32, #tpu.memory_space<vmem_shared>>) target(%arg14 : memref<128xf32, #tpu.memory_space<vmem>>) offsets(%arg21 : memref<128xi32, #tpu.memory_space<vmem>>) semaphore(%arg26 : memref<!tpu.dma_semaphore, #tpu.memory_space<semaphore_mem>>)
      %dma_start3A_200 = arith.constant 0 : i32
      %dma_start3A_201 = tpu.memref_slice %arg31[%dma_start3A_200] : memref<102400xf32, #tpu.memory_space<vmem_shared>> -> memref<102400xf32, #tpu.memory_space<vmem_shared>>
      tpu.enqueue_indirect_dma source(%dma_start3A_201 : memref<102400xf32, #tpu.memory_space<vmem_shared>>) target(%arg15 : memref<128xf32, #tpu.memory_space<vmem>>) offsets(%arg23 : memref<128xi32, #tpu.memory_space<vmem>>) semaphore(%arg26 : memref<!tpu.dma_semaphore, #tpu.memory_space<semaphore_mem>>)
      %dma_start3A_202 = arith.constant 0 : i32
      %dma_start3A_203 = tpu.memref_slice %arg31[%dma_start3A_202] : memref<102400xf32, #tpu.memory_space<vmem_shared>> -> memref<102400xf32, #tpu.memory_space<vmem_shared>>
      tpu.enqueue_indirect_dma source(%dma_start3A_203 : memref<102400xf32, #tpu.memory_space<vmem_shared>>) target(%arg16 : memref<128xf32, #tpu.memory_space<vmem>>) offsets(%arg25 : memref<128xi32, #tpu.memory_space<vmem>>) semaphore(%arg26 : memref<!tpu.dma_semaphore, #tpu.memory_space<semaphore_mem>>)
      %dma_start3A_204 = arith.constant 0 : i32
      %dma_start3A_205 = tpu.memref_slice %arg32[%dma_start3A_204] : memref<102400xf32, #tpu.memory_space<vmem_shared>> -> memref<102400xf32, #tpu.memory_space<vmem_shared>>
      tpu.enqueue_indirect_dma source(%dma_start3A_205 : memref<102400xf32, #tpu.memory_space<vmem_shared>>) target(%arg17 : memref<128xf32, #tpu.memory_space<vmem>>) offsets(%arg21 : memref<128xi32, #tpu.memory_space<vmem>>) semaphore(%arg26 : memref<!tpu.dma_semaphore, #tpu.memory_space<semaphore_mem>>)
      %dma_start3A_206 = arith.constant 0 : i32
      %dma_start3A_207 = tpu.memref_slice %arg32[%dma_start3A_206] : memref<102400xf32, #tpu.memory_space<vmem_shared>> -> memref<102400xf32, #tpu.memory_space<vmem_shared>>
      tpu.enqueue_indirect_dma source(%dma_start3A_207 : memref<102400xf32, #tpu.memory_space<vmem_shared>>) target(%arg18 : memref<128xf32, #tpu.memory_space<vmem>>) offsets(%arg23 : memref<128xi32, #tpu.memory_space<vmem>>) semaphore(%arg26 : memref<!tpu.dma_semaphore, #tpu.memory_space<semaphore_mem>>)
      %dma_start3A_208 = arith.constant 0 : i32
      %dma_start3A_209 = tpu.memref_slice %arg32[%dma_start3A_208] : memref<102400xf32, #tpu.memory_space<vmem_shared>> -> memref<102400xf32, #tpu.memory_space<vmem_shared>>
      tpu.enqueue_indirect_dma source(%dma_start3A_209 : memref<102400xf32, #tpu.memory_space<vmem_shared>>) target(%arg19 : memref<128xf32, #tpu.memory_space<vmem>>) offsets(%arg25 : memref<128xi32, #tpu.memory_space<vmem>>) semaphore(%arg26 : memref<!tpu.dma_semaphore, #tpu.memory_space<semaphore_mem>>)
      %dma_start3A_210 = arith.constant 0 : i32
      %dma_start3A_211 = tpu.memref_slice %arg27[%dma_start3A_210] : memref<102400xf32, #tpu.memory_space<vmem_shared>> -> memref<102400xf32, #tpu.memory_space<vmem_shared>>
      tpu.enqueue_indirect_dma source(%dma_start3A_211 : memref<102400xf32, #tpu.memory_space<vmem_shared>>) target(%arg11 : memref<128xf32, #tpu.memory_space<vmem>>) offsets(%arg21 : memref<128xi32, #tpu.memory_space<vmem>>) semaphore(%arg26 : memref<!tpu.dma_semaphore, #tpu.memory_space<semaphore_mem>>)
      %dma_start3A_212 = arith.constant 0 : i32
      %dma_start3A_213 = tpu.memref_slice %arg27[%dma_start3A_212] : memref<102400xf32, #tpu.memory_space<vmem_shared>> -> memref<102400xf32, #tpu.memory_space<vmem_shared>>
      tpu.enqueue_indirect_dma source(%dma_start3A_213 : memref<102400xf32, #tpu.memory_space<vmem_shared>>) target(%arg12 : memref<128xf32, #tpu.memory_space<vmem>>) offsets(%arg23 : memref<128xi32, #tpu.memory_space<vmem>>) semaphore(%arg26 : memref<!tpu.dma_semaphore, #tpu.memory_space<semaphore_mem>>)
      %dma_start3A_214 = arith.constant 0 : i32
      %dma_start3A_215 = tpu.memref_slice %arg27[%dma_start3A_214] : memref<102400xf32, #tpu.memory_space<vmem_shared>> -> memref<102400xf32, #tpu.memory_space<vmem_shared>>
      tpu.enqueue_indirect_dma source(%dma_start3A_215 : memref<102400xf32, #tpu.memory_space<vmem_shared>>) target(%arg13 : memref<128xf32, #tpu.memory_space<vmem>>) offsets(%arg25 : memref<128xi32, #tpu.memory_space<vmem>>) semaphore(%arg26 : memref<!tpu.dma_semaphore, #tpu.memory_space<semaphore_mem>>)
      %dma_wait3A = arith.constant 0 : i32
      %dma_wait3A_216 = tpu.memref_slice %arg31[%dma_wait3A] : memref<102400xf32, #tpu.memory_space<vmem_shared>> -> memref<102400xf32, #tpu.memory_space<vmem_shared>>
      tpu.wait_indirect_dma semaphore(%arg26 : memref<!tpu.dma_semaphore, #tpu.memory_space<semaphore_mem>>) src(%dma_wait3A_216 : memref<102400xf32, #tpu.memory_space<vmem_shared>>) dst(%arg14 : memref<128xf32, #tpu.memory_space<vmem>>)
      %dma_wait3A_217 = arith.constant 0 : i32
      %dma_wait3A_218 = tpu.memref_slice %arg31[%dma_wait3A_217] : memref<102400xf32, #tpu.memory_space<vmem_shared>> -> memref<102400xf32, #tpu.memory_space<vmem_shared>>
      tpu.wait_indirect_dma semaphore(%arg26 : memref<!tpu.dma_semaphore, #tpu.memory_space<semaphore_mem>>) src(%dma_wait3A_218 : memref<102400xf32, #tpu.memory_space<vmem_shared>>) dst(%arg15 : memref<128xf32, #tpu.memory_space<vmem>>)
      %dma_wait3A_219 = arith.constant 0 : i32
      %dma_wait3A_220 = tpu.memref_slice %arg31[%dma_wait3A_219] : memref<102400xf32, #tpu.memory_space<vmem_shared>> -> memref<102400xf32, #tpu.memory_space<vmem_shared>>
      tpu.wait_indirect_dma semaphore(%arg26 : memref<!tpu.dma_semaphore, #tpu.memory_space<semaphore_mem>>) src(%dma_wait3A_220 : memref<102400xf32, #tpu.memory_space<vmem_shared>>) dst(%arg16 : memref<128xf32, #tpu.memory_space<vmem>>)
      %dma_wait3A_221 = arith.constant 0 : i32
      %dma_wait3A_222 = tpu.memref_slice %arg32[%dma_wait3A_221] : memref<102400xf32, #tpu.memory_space<vmem_shared>> -> memref<102400xf32, #tpu.memory_space<vmem_shared>>
      tpu.wait_indirect_dma semaphore(%arg26 : memref<!tpu.dma_semaphore, #tpu.memory_space<semaphore_mem>>) src(%dma_wait3A_222 : memref<102400xf32, #tpu.memory_space<vmem_shared>>) dst(%arg17 : memref<128xf32, #tpu.memory_space<vmem>>)
      %dma_wait3A_223 = arith.constant 0 : i32
      %dma_wait3A_224 = tpu.memref_slice %arg32[%dma_wait3A_223] : memref<102400xf32, #tpu.memory_space<vmem_shared>> -> memref<102400xf32, #tpu.memory_space<vmem_shared>>
      tpu.wait_indirect_dma semaphore(%arg26 : memref<!tpu.dma_semaphore, #tpu.memory_space<semaphore_mem>>) src(%dma_wait3A_224 : memref<102400xf32, #tpu.memory_space<vmem_shared>>) dst(%arg18 : memref<128xf32, #tpu.memory_space<vmem>>)
      %dma_wait3A_225 = arith.constant 0 : i32
      %dma_wait3A_226 = tpu.memref_slice %arg32[%dma_wait3A_225] : memref<102400xf32, #tpu.memory_space<vmem_shared>> -> memref<102400xf32, #tpu.memory_space<vmem_shared>>
      tpu.wait_indirect_dma semaphore(%arg26 : memref<!tpu.dma_semaphore, #tpu.memory_space<semaphore_mem>>) src(%dma_wait3A_226 : memref<102400xf32, #tpu.memory_space<vmem_shared>>) dst(%arg19 : memref<128xf32, #tpu.memory_space<vmem>>)
      %dma_wait3A_227 = arith.constant 0 : i32
      %dma_wait3A_228 = tpu.memref_slice %arg27[%dma_wait3A_227] : memref<102400xf32, #tpu.memory_space<vmem_shared>> -> memref<102400xf32, #tpu.memory_space<vmem_shared>>
      tpu.wait_indirect_dma semaphore(%arg26 : memref<!tpu.dma_semaphore, #tpu.memory_space<semaphore_mem>>) src(%dma_wait3A_228 : memref<102400xf32, #tpu.memory_space<vmem_shared>>) dst(%arg11 : memref<128xf32, #tpu.memory_space<vmem>>)
      %dma_wait3A_229 = arith.constant 0 : i32
      %dma_wait3A_230 = tpu.memref_slice %arg27[%dma_wait3A_229] : memref<102400xf32, #tpu.memory_space<vmem_shared>> -> memref<102400xf32, #tpu.memory_space<vmem_shared>>
      tpu.wait_indirect_dma semaphore(%arg26 : memref<!tpu.dma_semaphore, #tpu.memory_space<semaphore_mem>>) src(%dma_wait3A_230 : memref<102400xf32, #tpu.memory_space<vmem_shared>>) dst(%arg12 : memref<128xf32, #tpu.memory_space<vmem>>)
      %dma_wait3A_231 = arith.constant 0 : i32
      %dma_wait3A_232 = tpu.memref_slice %arg27[%dma_wait3A_231] : memref<102400xf32, #tpu.memory_space<vmem_shared>> -> memref<102400xf32, #tpu.memory_space<vmem_shared>>
      tpu.wait_indirect_dma semaphore(%arg26 : memref<!tpu.dma_semaphore, #tpu.memory_space<semaphore_mem>>) src(%dma_wait3A_232 : memref<102400xf32, #tpu.memory_space<vmem_shared>>) dst(%arg13 : memref<128xf32, #tpu.memory_space<vmem>>)
      %get3A_233 = arith.constant 0 : index
      %get3A_234 = tpu.vector_load %arg14[%get3A_233] {strides = array<i32>} : memref<128xf32, #tpu.memory_space<vmem>>, vector<16xf32>,
      %get3A_235 = vector.shape_cast %get3A_234 : vector<16xf32> to vector<16xf32>
      %get3A_236 = arith.constant 0 : index
      %get3A_237 = tpu.vector_load %arg15[%get3A_236] {strides = array<i32>} : memref<128xf32, #tpu.memory_space<vmem>>, vector<16xf32>,
      %get3A_238 = vector.shape_cast %get3A_237 : vector<16xf32> to vector<16xf32>
      %get3A_239 = arith.constant 0 : index
      %get3A_240 = tpu.vector_load %arg16[%get3A_239] {strides = array<i32>} : memref<128xf32, #tpu.memory_space<vmem>>, vector<16xf32>,
      %get3A_241 = vector.shape_cast %get3A_240 : vector<16xf32> to vector<16xf32>
      %get3A_242 = arith.constant 0 : index
      %get3A_243 = tpu.vector_load %arg17[%get3A_242] {strides = array<i32>} : memref<128xf32, #tpu.memory_space<vmem>>, vector<16xf32>,
      %get3A_244 = vector.shape_cast %get3A_243 : vector<16xf32> to vector<16xf32>
      %get3A_245 = arith.constant 0 : index
      %get3A_246 = tpu.vector_load %arg18[%get3A_245] {strides = array<i32>} : memref<128xf32, #tpu.memory_space<vmem>>, vector<16xf32>,
      %get3A_247 = vector.shape_cast %get3A_246 : vector<16xf32> to vector<16xf32>
      %get3A_248 = arith.constant 0 : index
      %get3A_249 = tpu.vector_load %arg19[%get3A_248] {strides = array<i32>} : memref<128xf32, #tpu.memory_space<vmem>>, vector<16xf32>,
      %get3A_250 = vector.shape_cast %get3A_249 : vector<16xf32> to vector<16xf32>
      %get3A_251 = arith.constant 0 : index
      %get3A_252 = tpu.vector_load %arg11[%get3A_251] {strides = array<i32>} : memref<128xf32, #tpu.memory_space<vmem>>, vector<16xf32>,
      %get3A_253 = vector.shape_cast %get3A_252 : vector<16xf32> to vector<16xf32>
      %get3A_254 = arith.constant 0 : index
      %get3A_255 = tpu.vector_load %arg12[%get3A_254] {strides = array<i32>} : memref<128xf32, #tpu.memory_space<vmem>>, vector<16xf32>,
      %get3A_256 = vector.shape_cast %get3A_255 : vector<16xf32> to vector<16xf32>
      %get3A_257 = arith.constant 0 : index
      %get3A_258 = tpu.vector_load %arg13[%get3A_257] {strides = array<i32>} : memref<128xf32, #tpu.memory_space<vmem>>, vector<16xf32>,
      %get3A_259 = vector.shape_cast %get3A_258 : vector<16xf32> to vector<16xf32>
      %sub3A = arith.subf %get3A_247, %get3A_250 : vector<16xf32>
      %sub3A_260 = arith.subf %get3A_241, %get3A_238 : vector<16xf32>
      %sub3A_261 = arith.subf %get3A_250, %get3A_244 : vector<16xf32>
      %sub3A_262 = arith.subf %get3A_235, %get3A_241 : vector<16xf32>
      %sub3A_263 = arith.subf %get3A_244, %get3A_247 : vector<16xf32>
      %sub3A_264 = arith.subf %get3A_238, %get3A_235 : vector<16xf32>
      %mul3A_265 = arith.mulf %sub3A_262, %sub3A : vector<16xf32>
      %mul3A_266 = arith.mulf %sub3A_260, %sub3A_261 : vector<16xf32>
      %sub3A_267 = arith.subf %mul3A_265, %mul3A_266 : vector<16xf32>
      %abs3A = math.absf %sub3A_267 : vector<16xf32>
      %div3A = arith.constant 5.000000e-01 : f32
      %div3A_268 = vector.broadcast %div3A : f32 to vector<16xf32>
      %div3A_269 = arith.divf %div3A_268, %abs3A : vector<16xf32>
      %mul3A_270 = arith.mulf %sub3A, %sub3A : vector<16xf32>
      %mul3A_271 = arith.mulf %sub3A_260, %sub3A_260 : vector<16xf32>
      %add3A_272 = arith.addf %mul3A_270, %mul3A_271 : vector<16xf32>
      %mul3A_273 = arith.mulf %add3A_272, %div3A_269 : vector<16xf32>
      %mul3A_274 = arith.mulf %sub3A_261, %sub3A_261 : vector<16xf32>
      %mul3A_275 = arith.mulf %sub3A_262, %sub3A_262 : vector<16xf32>
      %add3A_276 = arith.addf %mul3A_274, %mul3A_275 : vector<16xf32>
      %mul3A_277 = arith.mulf %add3A_276, %div3A_269 : vector<16xf32>
      %mul3A_278 = arith.mulf %sub3A_263, %sub3A_263 : vector<16xf32>
      %mul3A_279 = arith.mulf %sub3A_264, %sub3A_264 : vector<16xf32>
      %add3A_280 = arith.addf %mul3A_278, %mul3A_279 : vector<16xf32>
      %mul3A_281 = arith.mulf %add3A_280, %div3A_269 : vector<16xf32>
      %mul3A_282 = arith.mulf %sub3A, %sub3A_261 : vector<16xf32>
      %mul3A_283 = arith.mulf %sub3A_260, %sub3A_262 : vector<16xf32>
      %add3A_284 = arith.addf %mul3A_282, %mul3A_283 : vector<16xf32>
      %mul3A_285 = arith.mulf %add3A_284, %div3A_269 : vector<16xf32>
      %mul3A_286 = arith.mulf %sub3A_261, %sub3A_263 : vector<16xf32>
      %mul3A_287 = arith.mulf %sub3A_262, %sub3A_264 : vector<16xf32>
      %add3A_288 = arith.addf %mul3A_286, %mul3A_287 : vector<16xf32>
      %mul3A_289 = arith.mulf %add3A_288, %div3A_269 : vector<16xf32>
      %mul3A_290 = arith.mulf %sub3A_263, %sub3A : vector<16xf32>
      %mul3A_291 = arith.mulf %sub3A_264, %sub3A_260 : vector<16xf32>
      %add3A_292 = arith.addf %mul3A_290, %mul3A_291 : vector<16xf32>
      %mul3A_293 = arith.mulf %add3A_292, %div3A_269 : vector<16xf32>
      %mul3A_294 = arith.mulf %mul3A_273, %get3A_253 : vector<16xf32>
      %mul3A_295 = arith.mulf %mul3A_285, %get3A_256 : vector<16xf32>
      %add3A_296 = arith.addf %mul3A_294, %mul3A_295 : vector<16xf32>
      %mul3A_297 = arith.mulf %mul3A_293, %get3A_259 : vector<16xf32>
      %add3A_298 = arith.addf %add3A_296, %mul3A_297 : vector<16xf32>
      %neg3A = arith.constant 0.000000e+00 : f32
      %neg3A_299 = vector.broadcast %neg3A : f32 to vector<16xf32>
      %neg3A_300 = arith.subf %neg3A_299, %add3A_298 : vector<16xf32>
      %swap3A_301 = arith.constant 0 : index
      %swap3A_302 = tpu.vector_load %arg28[%swap3A_301] {strides = array<i32>} : memref<128xf32, #tpu.memory_space<vmem>>, vector<16xf32>,
      %swap3A_303 = vector.shape_cast %swap3A_302 : vector<16xf32> to vector<16xf32>
      %swap3A_304 = vector.shape_cast %neg3A_300 : vector<16xf32> to vector<16xf32>
      tpu.vector_store %arg28[%swap3A_301], %swap3A_304 {strides = array<i32>} : memref<128xf32, #tpu.memory_space<vmem>>, vector<16xf32>,
      %mul3A_305 = arith.mulf %mul3A_285, %get3A_253 : vector<16xf32>
      %mul3A_306 = arith.mulf %mul3A_277, %get3A_256 : vector<16xf32>
      %add3A_307 = arith.addf %mul3A_305, %mul3A_306 : vector<16xf32>
      %mul3A_308 = arith.mulf %mul3A_289, %get3A_259 : vector<16xf32>
      %add3A_309 = arith.addf %add3A_307, %mul3A_308 : vector<16xf32>
      %neg3A_310 = arith.constant 0.000000e+00 : f32
      %neg3A_311 = vector.broadcast %neg3A_310 : f32 to vector<16xf32>
      %neg3A_312 = arith.subf %neg3A_311, %add3A_309 : vector<16xf32>
      %swap3A_313 = arith.constant 0 : index
      %swap3A_314 = tpu.vector_load %arg29[%swap3A_313] {strides = array<i32>} : memref<128xf32, #tpu.memory_space<vmem>>, vector<16xf32>,
      %swap3A_315 = vector.shape_cast %swap3A_314 : vector<16xf32> to vector<16xf32>
      %swap3A_316 = vector.shape_cast %neg3A_312 : vector<16xf32> to vector<16xf32>
      tpu.vector_store %arg29[%swap3A_313], %swap3A_316 {strides = array<i32>} : memref<128xf32, #tpu.memory_space<vmem>>, vector<16xf32>,
      %mul3A_317 = arith.mulf %mul3A_293, %get3A_253 : vector<16xf32>
      %mul3A_318 = arith.mulf %mul3A_289, %get3A_256 : vector<16xf32>
      %add3A_319 = arith.addf %mul3A_317, %mul3A_318 : vector<16xf32>
      %mul3A_320 = arith.mulf %mul3A_281, %get3A_259 : vector<16xf32>
      %add3A_321 = arith.addf %add3A_319, %mul3A_320 : vector<16xf32>
      %neg3A_322 = arith.constant 0.000000e+00 : f32
      %neg3A_323 = vector.broadcast %neg3A_322 : f32 to vector<16xf32>
      %neg3A_324 = arith.subf %neg3A_323, %add3A_321 : vector<16xf32>
      %swap3A_325 = arith.constant 0 : index
      %swap3A_326 = tpu.vector_load %arg30[%swap3A_325] {strides = array<i32>} : memref<128xf32, #tpu.memory_space<vmem>>, vector<16xf32>,
      %swap3A_327 = vector.shape_cast %swap3A_326 : vector<16xf32> to vector<16xf32>
      %swap3A_328 = vector.shape_cast %neg3A_324 : vector<16xf32> to vector<16xf32>
      tpu.vector_store %arg30[%swap3A_325], %swap3A_328 {strides = array<i32>} : memref<128xf32, #tpu.memory_space<vmem>>, vector<16xf32>,
      %get3A_329 = arith.constant 16 : index
      %get3A_330 = tpu.vector_load %arg14[%get3A_329] {strides = array<i32>} : memref<128xf32, #tpu.memory_space<vmem>>, vector<16xf32>,
      %get3A_331 = vector.shape_cast %get3A_330 : vector<16xf32> to vector<16xf32>
      %get3A_332 = arith.constant 16 : index
      %get3A_333 = tpu.vector_load %arg15[%get3A_332] {strides = array<i32>} : memref<128xf32, #tpu.memory_space<vmem>>, vector<16xf32>,
      %get3A_334 = vector.shape_cast %get3A_333 : vector<16xf32> to vector<16xf32>
      %get3A_335 = arith.constant 16 : index
      %get3A_336 = tpu.vector_load %arg16[%get3A_335] {strides = array<i32>} : memref<128xf32, #tpu.memory_space<vmem>>, vector<16xf32>,
      %get3A_337 = vector.shape_cast %get3A_336 : vector<16xf32> to vector<16xf32>
      %get3A_338 = arith.constant 16 : index
      %get3A_339 = tpu.vector_load %arg17[%get3A_338] {strides = array<i32>} : memref<128xf32, #tpu.memory_space<vmem>>, vector<16xf32>,
      %get3A_340 = vector.shape_cast %get3A_339 : vector<16xf32> to vector<16xf32>
      %get3A_341 = arith.constant 16 : index
      %get3A_342 = tpu.vector_load %arg18[%get3A_341] {strides = array<i32>} : memref<128xf32, #tpu.memory_space<vmem>>, vector<16xf32>,
      %get3A_343 = vector.shape_cast %get3A_342 : vector<16xf32> to vector<16xf32>
      %get3A_344 = arith.constant 16 : index
      %get3A_345 = tpu.vector_load %arg19[%get3A_344] {strides = array<i32>} : memref<128xf32, #tpu.memory_space<vmem>>, vector<16xf32>,
      %get3A_346 = vector.shape_cast %get3A_345 : vector<16xf32> to vector<16xf32>
      %get3A_347 = arith.constant 16 : index
      %get3A_348 = tpu.vector_load %arg11[%get3A_347] {strides = array<i32>} : memref<128xf32, #tpu.memory_space<vmem>>, vector<16xf32>,
      %get3A_349 = vector.shape_cast %get3A_348 : vector<16xf32> to vector<16xf32>
      %get3A_350 = arith.constant 16 : index
      %get3A_351 = tpu.vector_load %arg12[%get3A_350] {strides = array<i32>} : memref<128xf32, #tpu.memory_space<vmem>>, vector<16xf32>,
      %get3A_352 = vector.shape_cast %get3A_351 : vector<16xf32> to vector<16xf32>
      %get3A_353 = arith.constant 16 : index
      %get3A_354 = tpu.vector_load %arg13[%get3A_353] {strides = array<i32>} : memref<128xf32, #tpu.memory_space<vmem>>, vector<16xf32>,
      %get3A_355 = vector.shape_cast %get3A_354 : vector<16xf32> to vector<16xf32>
      %sub3A_356 = arith.subf %get3A_343, %get3A_346 : vector<16xf32>
      %sub3A_357 = arith.subf %get3A_337, %get3A_334 : vector<16xf32>
      %sub3A_358 = arith.subf %get3A_346, %get3A_340 : vector<16xf32>
      %sub3A_359 = arith.subf %get3A_331, %get3A_337 : vector<16xf32>
      %sub3A_360 = arith.subf %get3A_340, %get3A_343 : vector<16xf32>
      %sub3A_361 = arith.subf %get3A_334, %get3A_331 : vector<16xf32>
      %mul3A_362 = arith.mulf %sub3A_359, %sub3A_356 : vector<16xf32>
      %mul3A_363 = arith.mulf %sub3A_357, %sub3A_358 : vector<16xf32>
      %sub3A_364 = arith.subf %mul3A_362, %mul3A_363 : vector<16xf32>
      %abs3A_365 = math.absf %sub3A_364 : vector<16xf32>
      %div3A_366 = arith.constant 5.000000e-01 : f32
      %div3A_367 = vector.broadcast %div3A_366 : f32 to vector<16xf32>
      %div3A_368 = arith.divf %div3A_367, %abs3A_365 : vector<16xf32>
      %mul3A_369 = arith.mulf %sub3A_356, %sub3A_356 : vector<16xf32>
      %mul3A_370 = arith.mulf %sub3A_357, %sub3A_357 : vector<16xf32>
      %add3A_371 = arith.addf %mul3A_369, %mul3A_370 : vector<16xf32>
      %mul3A_372 = arith.mulf %add3A_371, %div3A_368 : vector<16xf32>
      %mul3A_373 = arith.mulf %sub3A_358, %sub3A_358 : vector<16xf32>
      %mul3A_374 = arith.mulf %sub3A_359, %sub3A_359 : vector<16xf32>
      %add3A_375 = arith.addf %mul3A_373, %mul3A_374 : vector<16xf32>
      %mul3A_376 = arith.mulf %add3A_375, %div3A_368 : vector<16xf32>
      %mul3A_377 = arith.mulf %sub3A_360, %sub3A_360 : vector<16xf32>
      %mul3A_378 = arith.mulf %sub3A_361, %sub3A_361 : vector<16xf32>
      %add3A_379 = arith.addf %mul3A_377, %mul3A_378 : vector<16xf32>
      %mul3A_380 = arith.mulf %add3A_379, %div3A_368 : vector<16xf32>
      %mul3A_381 = arith.mulf %sub3A_356, %sub3A_358 : vector<16xf32>
      %mul3A_382 = arith.mulf %sub3A_357, %sub3A_359 : vector<16xf32>
      %add3A_383 = arith.addf %mul3A_381, %mul3A_382 : vector<16xf32>
      %mul3A_384 = arith.mulf %add3A_383, %div3A_368 : vector<16xf32>
      %mul3A_385 = arith.mulf %sub3A_358, %sub3A_360 : vector<16xf32>
      %mul3A_386 = arith.mulf %sub3A_359, %sub3A_361 : vector<16xf32>
      %add3A_387 = arith.addf %mul3A_385, %mul3A_386 : vector<16xf32>
      %mul3A_388 = arith.mulf %add3A_387, %div3A_368 : vector<16xf32>
      %mul3A_389 = arith.mulf %sub3A_360, %sub3A_356 : vector<16xf32>
      %mul3A_390 = arith.mulf %sub3A_361, %sub3A_357 : vector<16xf32>
      %add3A_391 = arith.addf %mul3A_389, %mul3A_390 : vector<16xf32>
      %mul3A_392 = arith.mulf %add3A_391, %div3A_368 : vector<16xf32>
      %mul3A_393 = arith.mulf %mul3A_372, %get3A_349 : vector<16xf32>
      %mul3A_394 = arith.mulf %mul3A_384, %get3A_352 : vector<16xf32>
      %add3A_395 = arith.addf %mul3A_393, %mul3A_394 : vector<16xf32>
      %mul3A_396 = arith.mulf %mul3A_392, %get3A_355 : vector<16xf32>
      %add3A_397 = arith.addf %add3A_395, %mul3A_396 : vector<16xf32>
      %neg3A_398 = arith.constant 0.000000e+00 : f32
      %neg3A_399 = vector.broadcast %neg3A_398 : f32 to vector<16xf32>
      %neg3A_400 = arith.subf %neg3A_399, %add3A_397 : vector<16xf32>
      %swap3A_401 = arith.constant 16 : index
      %swap3A_402 = tpu.vector_load %arg28[%swap3A_401] {strides = array<i32>} : memref<128xf32, #tpu.memory_space<vmem>>, vector<16xf32>,
      %swap3A_403 = vector.shape_cast %swap3A_402 : vector<16xf32> to vector<16xf32>
      %swap3A_404 = vector.shape_cast %neg3A_400 : vector<16xf32> to vector<16xf32>
      tpu.vector_store %arg28[%swap3A_401], %swap3A_404 {strides = array<i32>} : memref<128xf32, #tpu.memory_space<vmem>>, vector<16xf32>,
      %mul3A_405 = arith.mulf %mul3A_384, %get3A_349 : vector<16xf32>
      %mul3A_406 = arith.mulf %mul3A_376, %get3A_352 : vector<16xf32>
      %add3A_407 = arith.addf %mul3A_405, %mul3A_406 : vector<16xf32>
      %mul3A_408 = arith.mulf %mul3A_388, %get3A_355 : vector<16xf32>
      %add3A_409 = arith.addf %add3A_407, %mul3A_408 : vector<16xf32>
      %neg3A_410 = arith.constant 0.000000e+00 : f32
      %neg3A_411 = vector.broadcast %neg3A_410 : f32 to vector<16xf32>
      %neg3A_412 = arith.subf %neg3A_411, %add3A_409 : vector<16xf32>
      %swap3A_413 = arith.constant 16 : index
      %swap3A_414 = tpu.vector_load %arg29[%swap3A_413] {strides = array<i32>} : memref<128xf32, #tpu.memory_space<vmem>>, vector<16xf32>,
      %swap3A_415 = vector.shape_cast %swap3A_414 : vector<16xf32> to vector<16xf32>
      %swap3A_416 = vector.shape_cast %neg3A_412 : vector<16xf32> to vector<16xf32>
      tpu.vector_store %arg29[%swap3A_413], %swap3A_416 {strides = array<i32>} : memref<128xf32, #tpu.memory_space<vmem>>, vector<16xf32>,
      %mul3A_417 = arith.mulf %mul3A_392, %get3A_349 : vector<16xf32>
      %mul3A_418 = arith.mulf %mul3A_388, %get3A_352 : vector<16xf32>
      %add3A_419 = arith.addf %mul3A_417, %mul3A_418 : vector<16xf32>
      %mul3A_420 = arith.mulf %mul3A_380, %get3A_355 : vector<16xf32>
      %add3A_421 = arith.addf %add3A_419, %mul3A_420 : vector<16xf32>
      %neg3A_422 = arith.constant 0.000000e+00 : f32
      %neg3A_423 = vector.broadcast %neg3A_422 : f32 to vector<16xf32>
      %neg3A_424 = arith.subf %neg3A_423, %add3A_421 : vector<16xf32>
      %swap3A_425 = arith.constant 16 : index
      %swap3A_426 = tpu.vector_load %arg30[%swap3A_425] {strides = array<i32>} : memref<128xf32, #tpu.memory_space<vmem>>, vector<16xf32>,
      %swap3A_427 = vector.shape_cast %swap3A_426 : vector<16xf32> to vector<16xf32>
      %swap3A_428 = vector.shape_cast %neg3A_424 : vector<16xf32> to vector<16xf32>
      tpu.vector_store %arg30[%swap3A_425], %swap3A_428 {strides = array<i32>} : memref<128xf32, #tpu.memory_space<vmem>>, vector<16xf32>,
      %get3A_429 = arith.constant 32 : index
      %get3A_430 = tpu.vector_load %arg14[%get3A_429] {strides = array<i32>} : memref<128xf32, #tpu.memory_space<vmem>>, vector<16xf32>,
      %get3A_431 = vector.shape_cast %get3A_430 : vector<16xf32> to vector<16xf32>
      %get3A_432 = arith.constant 32 : index
      %get3A_433 = tpu.vector_load %arg15[%get3A_432] {strides = array<i32>} : memref<128xf32, #tpu.memory_space<vmem>>, vector<16xf32>,
      %get3A_434 = vector.shape_cast %get3A_433 : vector<16xf32> to vector<16xf32>
      %get3A_435 = arith.constant 32 : index
      %get3A_436 = tpu.vector_load %arg16[%get3A_435] {strides = array<i32>} : memref<128xf32, #tpu.memory_space<vmem>>, vector<16xf32>,
      %get3A_437 = vector.shape_cast %get3A_436 : vector<16xf32> to vector<16xf32>
      %get3A_438 = arith.constant 32 : index
      %get3A_439 = tpu.vector_load %arg17[%get3A_438] {strides = array<i32>} : memref<128xf32, #tpu.memory_space<vmem>>, vector<16xf32>,
      %get3A_440 = vector.shape_cast %get3A_439 : vector<16xf32> to vector<16xf32>
      %get3A_441 = arith.constant 32 : index
      %get3A_442 = tpu.vector_load %arg18[%get3A_441] {strides = array<i32>} : memref<128xf32, #tpu.memory_space<vmem>>, vector<16xf32>,
      %get3A_443 = vector.shape_cast %get3A_442 : vector<16xf32> to vector<16xf32>
      %get3A_444 = arith.constant 32 : index
      %get3A_445 = tpu.vector_load %arg19[%get3A_444] {strides = array<i32>} : memref<128xf32, #tpu.memory_space<vmem>>, vector<16xf32>,
      %get3A_446 = vector.shape_cast %get3A_445 : vector<16xf32> to vector<16xf32>
      %get3A_447 = arith.constant 32 : index
      %get3A_448 = tpu.vector_load %arg11[%get3A_447] {strides = array<i32>} : memref<128xf32, #tpu.memory_space<vmem>>, vector<16xf32>,
      %get3A_449 = vector.shape_cast %get3A_448 : vector<16xf32> to vector<16xf32>
      %get3A_450 = arith.constant 32 : index
      %get3A_451 = tpu.vector_load %arg12[%get3A_450] {strides = array<i32>} : memref<128xf32, #tpu.memory_space<vmem>>, vector<16xf32>,
      %get3A_452 = vector.shape_cast %get3A_451 : vector<16xf32> to vector<16xf32>
      %get3A_453 = arith.constant 32 : index
      %get3A_454 = tpu.vector_load %arg13[%get3A_453] {strides = array<i32>} : memref<128xf32, #tpu.memory_space<vmem>>, vector<16xf32>,
      %get3A_455 = vector.shape_cast %get3A_454 : vector<16xf32> to vector<16xf32>
      %sub3A_456 = arith.subf %get3A_443, %get3A_446 : vector<16xf32>
      %sub3A_457 = arith.subf %get3A_437, %get3A_434 : vector<16xf32>
      %sub3A_458 = arith.subf %get3A_446, %get3A_440 : vector<16xf32>
      %sub3A_459 = arith.subf %get3A_431, %get3A_437 : vector<16xf32>
      %sub3A_460 = arith.subf %get3A_440, %get3A_443 : vector<16xf32>
      %sub3A_461 = arith.subf %get3A_434, %get3A_431 : vector<16xf32>
      %mul3A_462 = arith.mulf %sub3A_459, %sub3A_456 : vector<16xf32>
      %mul3A_463 = arith.mulf %sub3A_457, %sub3A_458 : vector<16xf32>
      %sub3A_464 = arith.subf %mul3A_462, %mul3A_463 : vector<16xf32>
      %abs3A_465 = math.absf %sub3A_464 : vector<16xf32>
      %div3A_466 = arith.constant 5.000000e-01 : f32
      %div3A_467 = vector.broadcast %div3A_466 : f32 to vector<16xf32>
      %div3A_468 = arith.divf %div3A_467, %abs3A_465 : vector<16xf32>
      %mul3A_469 = arith.mulf %sub3A_456, %sub3A_456 : vector<16xf32>
      %mul3A_470 = arith.mulf %sub3A_457, %sub3A_457 : vector<16xf32>
      %add3A_471 = arith.addf %mul3A_469, %mul3A_470 : vector<16xf32>
      %mul3A_472 = arith.mulf %add3A_471, %div3A_468 : vector<16xf32>
      %mul3A_473 = arith.mulf %sub3A_458, %sub3A_458 : vector<16xf32>
      %mul3A_474 = arith.mulf %sub3A_459, %sub3A_459 : vector<16xf32>
      %add3A_475 = arith.addf %mul3A_473, %mul3A_474 : vector<16xf32>
      %mul3A_476 = arith.mulf %add3A_475, %div3A_468 : vector<16xf32>
      %mul3A_477 = arith.mulf %sub3A_460, %sub3A_460 : vector<16xf32>
      %mul3A_478 = arith.mulf %sub3A_461, %sub3A_461 : vector<16xf32>
      %add3A_479 = arith.addf %mul3A_477, %mul3A_478 : vector<16xf32>
      %mul3A_480 = arith.mulf %add3A_479, %div3A_468 : vector<16xf32>
      %mul3A_481 = arith.mulf %sub3A_456, %sub3A_458 : vector<16xf32>
      %mul3A_482 = arith.mulf %sub3A_457, %sub3A_459 : vector<16xf32>
      %add3A_483 = arith.addf %mul3A_481, %mul3A_482 : vector<16xf32>
      %mul3A_484 = arith.mulf %add3A_483, %div3A_468 : vector<16xf32>
      %mul3A_485 = arith.mulf %sub3A_458, %sub3A_460 : vector<16xf32>
      %mul3A_486 = arith.mulf %sub3A_459, %sub3A_461 : vector<16xf32>
      %add3A_487 = arith.addf %mul3A_485, %mul3A_486 : vector<16xf32>
      %mul3A_488 = arith.mulf %add3A_487, %div3A_468 : vector<16xf32>
      %mul3A_489 = arith.mulf %sub3A_460, %sub3A_456 : vector<16xf32>
      %mul3A_490 = arith.mulf %sub3A_461, %sub3A_457 : vector<16xf32>
      %add3A_491 = arith.addf %mul3A_489, %mul3A_490 : vector<16xf32>
      %mul3A_492 = arith.mulf %add3A_491, %div3A_468 : vector<16xf32>
      %mul3A_493 = arith.mulf %mul3A_472, %get3A_449 : vector<16xf32>
      %mul3A_494 = arith.mulf %mul3A_484, %get3A_452 : vector<16xf32>
      %add3A_495 = arith.addf %mul3A_493, %mul3A_494 : vector<16xf32>
      %mul3A_496 = arith.mulf %mul3A_492, %get3A_455 : vector<16xf32>
      %add3A_497 = arith.addf %add3A_495, %mul3A_496 : vector<16xf32>
      %neg3A_498 = arith.constant 0.000000e+00 : f32
      %neg3A_499 = vector.broadcast %neg3A_498 : f32 to vector<16xf32>
      %neg3A_500 = arith.subf %neg3A_499, %add3A_497 : vector<16xf32>
      %swap3A_501 = arith.constant 32 : index
      %swap3A_502 = tpu.vector_load %arg28[%swap3A_501] {strides = array<i32>} : memref<128xf32, #tpu.memory_space<vmem>>, vector<16xf32>,
      %swap3A_503 = vector.shape_cast %swap3A_502 : vector<16xf32> to vector<16xf32>
      %swap3A_504 = vector.shape_cast %neg3A_500 : vector<16xf32> to vector<16xf32>
      tpu.vector_store %arg28[%swap3A_501], %swap3A_504 {strides = array<i32>} : memref<128xf32, #tpu.memory_space<vmem>>, vector<16xf32>,
      %mul3A_505 = arith.mulf %mul3A_484, %get3A_449 : vector<16xf32>
      %mul3A_506 = arith.mulf %mul3A_476, %get3A_452 : vector<16xf32>
      %add3A_507 = arith.addf %mul3A_505, %mul3A_506 : vector<16xf32>
      %mul3A_508 = arith.mulf %mul3A_488, %get3A_455 : vector<16xf32>
      %add3A_509 = arith.addf %add3A_507, %mul3A_508 : vector<16xf32>
      %neg3A_510 = arith.constant 0.000000e+00 : f32
      %neg3A_511 = vector.broadcast %neg3A_510 : f32 to vector<16xf32>
      %neg3A_512 = arith.subf %neg3A_511, %add3A_509 : vector<16xf32>
      %swap3A_513 = arith.constant 32 : index
      %swap3A_514 = tpu.vector_load %arg29[%swap3A_513] {strides = array<i32>} : memref<128xf32, #tpu.memory_space<vmem>>, vector<16xf32>,
      %swap3A_515 = vector.shape_cast %swap3A_514 : vector<16xf32> to vector<16xf32>
      %swap3A_516 = vector.shape_cast %neg3A_512 : vector<16xf32> to vector<16xf32>
      tpu.vector_store %arg29[%swap3A_513], %swap3A_516 {strides = array<i32>} : memref<128xf32, #tpu.memory_space<vmem>>, vector<16xf32>,
      %mul3A_517 = arith.mulf %mul3A_492, %get3A_449 : vector<16xf32>
      %mul3A_518 = arith.mulf %mul3A_488, %get3A_452 : vector<16xf32>
      %add3A_519 = arith.addf %mul3A_517, %mul3A_518 : vector<16xf32>
      %mul3A_520 = arith.mulf %mul3A_480, %get3A_455 : vector<16xf32>
      %add3A_521 = arith.addf %add3A_519, %mul3A_520 : vector<16xf32>
      %neg3A_522 = arith.constant 0.000000e+00 : f32
      %neg3A_523 = vector.broadcast %neg3A_522 : f32 to vector<16xf32>
      %neg3A_524 = arith.subf %neg3A_523, %add3A_521 : vector<16xf32>
      %swap3A_525 = arith.constant 32 : index
      %swap3A_526 = tpu.vector_load %arg30[%swap3A_525] {strides = array<i32>} : memref<128xf32, #tpu.memory_space<vmem>>, vector<16xf32>,
      %swap3A_527 = vector.shape_cast %swap3A_526 : vector<16xf32> to vector<16xf32>
      %swap3A_528 = vector.shape_cast %neg3A_524 : vector<16xf32> to vector<16xf32>
      tpu.vector_store %arg30[%swap3A_525], %swap3A_528 {strides = array<i32>} : memref<128xf32, #tpu.memory_space<vmem>>, vector<16xf32>,
      %get3A_529 = arith.constant 48 : index
      %get3A_530 = tpu.vector_load %arg14[%get3A_529] {strides = array<i32>} : memref<128xf32, #tpu.memory_space<vmem>>, vector<16xf32>,
      %get3A_531 = vector.shape_cast %get3A_530 : vector<16xf32> to vector<16xf32>
      %get3A_532 = arith.constant 48 : index
      %get3A_533 = tpu.vector_load %arg15[%get3A_532] {strides = array<i32>} : memref<128xf32, #tpu.memory_space<vmem>>, vector<16xf32>,
      %get3A_534 = vector.shape_cast %get3A_533 : vector<16xf32> to vector<16xf32>
      %get3A_535 = arith.constant 48 : index
      %get3A_536 = tpu.vector_load %arg16[%get3A_535] {strides = array<i32>} : memref<128xf32, #tpu.memory_space<vmem>>, vector<16xf32>,
      %get3A_537 = vector.shape_cast %get3A_536 : vector<16xf32> to vector<16xf32>
      %get3A_538 = arith.constant 48 : index
      %get3A_539 = tpu.vector_load %arg17[%get3A_538] {strides = array<i32>} : memref<128xf32, #tpu.memory_space<vmem>>, vector<16xf32>,
      %get3A_540 = vector.shape_cast %get3A_539 : vector<16xf32> to vector<16xf32>
      %get3A_541 = arith.constant 48 : index
      %get3A_542 = tpu.vector_load %arg18[%get3A_541] {strides = array<i32>} : memref<128xf32, #tpu.memory_space<vmem>>, vector<16xf32>,
      %get3A_543 = vector.shape_cast %get3A_542 : vector<16xf32> to vector<16xf32>
      %get3A_544 = arith.constant 48 : index
      %get3A_545 = tpu.vector_load %arg19[%get3A_544] {strides = array<i32>} : memref<128xf32, #tpu.memory_space<vmem>>, vector<16xf32>,
      %get3A_546 = vector.shape_cast %get3A_545 : vector<16xf32> to vector<16xf32>
      %get3A_547 = arith.constant 48 : index
      %get3A_548 = tpu.vector_load %arg11[%get3A_547] {strides = array<i32>} : memref<128xf32, #tpu.memory_space<vmem>>, vector<16xf32>,
      %get3A_549 = vector.shape_cast %get3A_548 : vector<16xf32> to vector<16xf32>
      %get3A_550 = arith.constant 48 : index
      %get3A_551 = tpu.vector_load %arg12[%get3A_550] {strides = array<i32>} : memref<128xf32, #tpu.memory_space<vmem>>, vector<16xf32>,
      %get3A_552 = vector.shape_cast %get3A_551 : vector<16xf32> to vector<16xf32>
      %get3A_553 = arith.constant 48 : index
      %get3A_554 = tpu.vector_load %arg13[%get3A_553] {strides = array<i32>} : memref<128xf32, #tpu.memory_space<vmem>>, vector<16xf32>,
      %get3A_555 = vector.shape_cast %get3A_554 : vector<16xf32> to vector<16xf32>
      %sub3A_556 = arith.subf %get3A_543, %get3A_546 : vector<16xf32>
      %sub3A_557 = arith.subf %get3A_537, %get3A_534 : vector<16xf32>
      %sub3A_558 = arith.subf %get3A_546, %get3A_540 : vector<16xf32>
      %sub3A_559 = arith.subf %get3A_531, %get3A_537 : vector<16xf32>
      %sub3A_560 = arith.subf %get3A_540, %get3A_543 : vector<16xf32>
      %sub3A_561 = arith.subf %get3A_534, %get3A_531 : vector<16xf32>
      %mul3A_562 = arith.mulf %sub3A_559, %sub3A_556 : vector<16xf32>
      %mul3A_563 = arith.mulf %sub3A_557, %sub3A_558 : vector<16xf32>
      %sub3A_564 = arith.subf %mul3A_562, %mul3A_563 : vector<16xf32>
      %abs3A_565 = math.absf %sub3A_564 : vector<16xf32>
      %div3A_566 = arith.constant 5.000000e-01 : f32
      %div3A_567 = vector.broadcast %div3A_566 : f32 to vector<16xf32>
      %div3A_568 = arith.divf %div3A_567, %abs3A_565 : vector<16xf32>
      %mul3A_569 = arith.mulf %sub3A_556, %sub3A_556 : vector<16xf32>
      %mul3A_570 = arith.mulf %sub3A_557, %sub3A_557 : vector<16xf32>
      %add3A_571 = arith.addf %mul3A_569, %mul3A_570 : vector<16xf32>
      %mul3A_572 = arith.mulf %add3A_571, %div3A_568 : vector<16xf32>
      %mul3A_573 = arith.mulf %sub3A_558, %sub3A_558 : vector<16xf32>
      %mul3A_574 = arith.mulf %sub3A_559, %sub3A_559 : vector<16xf32>
      %add3A_575 = arith.addf %mul3A_573, %mul3A_574 : vector<16xf32>
      %mul3A_576 = arith.mulf %add3A_575, %div3A_568 : vector<16xf32>
      %mul3A_577 = arith.mulf %sub3A_560, %sub3A_560 : vector<16xf32>
      %mul3A_578 = arith.mulf %sub3A_561, %sub3A_561 : vector<16xf32>
      %add3A_579 = arith.addf %mul3A_577, %mul3A_578 : vector<16xf32>
      %mul3A_580 = arith.mulf %add3A_579, %div3A_568 : vector<16xf32>
      %mul3A_581 = arith.mulf %sub3A_556, %sub3A_558 : vector<16xf32>
      %mul3A_582 = arith.mulf %sub3A_557, %sub3A_559 : vector<16xf32>
      %add3A_583 = arith.addf %mul3A_581, %mul3A_582 : vector<16xf32>
      %mul3A_584 = arith.mulf %add3A_583, %div3A_568 : vector<16xf32>
      %mul3A_585 = arith.mulf %sub3A_558, %sub3A_560 : vector<16xf32>
      %mul3A_586 = arith.mulf %sub3A_559, %sub3A_561 : vector<16xf32>
      %add3A_587 = arith.addf %mul3A_585, %mul3A_586 : vector<16xf32>
      %mul3A_588 = arith.mulf %add3A_587, %div3A_568 : vector<16xf32>
      %mul3A_589 = arith.mulf %sub3A_560, %sub3A_556 : vector<16xf32>
      %mul3A_590 = arith.mulf %sub3A_561, %sub3A_557 : vector<16xf32>
      %add3A_591 = arith.addf %mul3A_589, %mul3A_590 : vector<16xf32>
      %mul3A_592 = arith.mulf %add3A_591, %div3A_568 : vector<16xf32>
      %mul3A_593 = arith.mulf %mul3A_572, %get3A_549 : vector<16xf32>
      %mul3A_594 = arith.mulf %mul3A_584, %get3A_552 : vector<16xf32>
      %add3A_595 = arith.addf %mul3A_593, %mul3A_594 : vector<16xf32>
      %mul3A_596 = arith.mulf %mul3A_592, %get3A_555 : vector<16xf32>
      %add3A_597 = arith.addf %add3A_595, %mul3A_596 : vector<16xf32>
      %neg3A_598 = arith.constant 0.000000e+00 : f32
      %neg3A_599 = vector.broadcast %neg3A_598 : f32 to vector<16xf32>
      %neg3A_600 = arith.subf %neg3A_599, %add3A_597 : vector<16xf32>
      %swap3A_601 = arith.constant 48 : index
      %swap3A_602 = tpu.vector_load %arg28[%swap3A_601] {strides = array<i32>} : memref<128xf32, #tpu.memory_space<vmem>>, vector<16xf32>,
      %swap3A_603 = vector.shape_cast %swap3A_602 : vector<16xf32> to vector<16xf32>
      %swap3A_604 = vector.shape_cast %neg3A_600 : vector<16xf32> to vector<16xf32>
      tpu.vector_store %arg28[%swap3A_601], %swap3A_604 {strides = array<i32>} : memref<128xf32, #tpu.memory_space<vmem>>, vector<16xf32>,
      %mul3A_605 = arith.mulf %mul3A_584, %get3A_549 : vector<16xf32>
      %mul3A_606 = arith.mulf %mul3A_576, %get3A_552 : vector<16xf32>
      %add3A_607 = arith.addf %mul3A_605, %mul3A_606 : vector<16xf32>
      %mul3A_608 = arith.mulf %mul3A_588, %get3A_555 : vector<16xf32>
      %add3A_609 = arith.addf %add3A_607, %mul3A_608 : vector<16xf32>
      %neg3A_610 = arith.constant 0.000000e+00 : f32
      %neg3A_611 = vector.broadcast %neg3A_610 : f32 to vector<16xf32>
      %neg3A_612 = arith.subf %neg3A_611, %add3A_609 : vector<16xf32>
      %swap3A_613 = arith.constant 48 : index
      %swap3A_614 = tpu.vector_load %arg29[%swap3A_613] {strides = array<i32>} : memref<128xf32, #tpu.memory_space<vmem>>, vector<16xf32>,
      %swap3A_615 = vector.shape_cast %swap3A_614 : vector<16xf32> to vector<16xf32>
      %swap3A_616 = vector.shape_cast %neg3A_612 : vector<16xf32> to vector<16xf32>
      tpu.vector_store %arg29[%swap3A_613], %swap3A_616 {strides = array<i32>} : memref<128xf32, #tpu.memory_space<vmem>>, vector<16xf32>,
      %mul3A_617 = arith.mulf %mul3A_592, %get3A_549 : vector<16xf32>
      %mul3A_618 = arith.mulf %mul3A_588, %get3A_552 : vector<16xf32>
      %add3A_619 = arith.addf %mul3A_617, %mul3A_618 : vector<16xf32>
      %mul3A_620 = arith.mulf %mul3A_580, %get3A_555 : vector<16xf32>
      %add3A_621 = arith.addf %add3A_619, %mul3A_620 : vector<16xf32>
      %neg3A_622 = arith.constant 0.000000e+00 : f32
      %neg3A_623 = vector.broadcast %neg3A_622 : f32 to vector<16xf32>
      %neg3A_624 = arith.subf %neg3A_623, %add3A_621 : vector<16xf32>
      %swap3A_625 = arith.constant 48 : index
      %swap3A_626 = tpu.vector_load %arg30[%swap3A_625] {strides = array<i32>} : memref<128xf32, #tpu.memory_space<vmem>>, vector<16xf32>,
      %swap3A_627 = vector.shape_cast %swap3A_626 : vector<16xf32> to vector<16xf32>
      %swap3A_628 = vector.shape_cast %neg3A_624 : vector<16xf32> to vector<16xf32>
      tpu.vector_store %arg30[%swap3A_625], %swap3A_628 {strides = array<i32>} : memref<128xf32, #tpu.memory_space<vmem>>, vector<16xf32>,
      %get3A_629 = arith.constant 64 : index
      %get3A_630 = tpu.vector_load %arg14[%get3A_629] {strides = array<i32>} : memref<128xf32, #tpu.memory_space<vmem>>, vector<16xf32>,
      %get3A_631 = vector.shape_cast %get3A_630 : vector<16xf32> to vector<16xf32>
      %get3A_632 = arith.constant 64 : index
      %get3A_633 = tpu.vector_load %arg15[%get3A_632] {strides = array<i32>} : memref<128xf32, #tpu.memory_space<vmem>>, vector<16xf32>,
      %get3A_634 = vector.shape_cast %get3A_633 : vector<16xf32> to vector<16xf32>
      %get3A_635 = arith.constant 64 : index
      %get3A_636 = tpu.vector_load %arg16[%get3A_635] {strides = array<i32>} : memref<128xf32, #tpu.memory_space<vmem>>, vector<16xf32>,
      %get3A_637 = vector.shape_cast %get3A_636 : vector<16xf32> to vector<16xf32>
      %get3A_638 = arith.constant 64 : index
      %get3A_639 = tpu.vector_load %arg17[%get3A_638] {strides = array<i32>} : memref<128xf32, #tpu.memory_space<vmem>>, vector<16xf32>,
      %get3A_640 = vector.shape_cast %get3A_639 : vector<16xf32> to vector<16xf32>
      %get3A_641 = arith.constant 64 : index
      %get3A_642 = tpu.vector_load %arg18[%get3A_641] {strides = array<i32>} : memref<128xf32, #tpu.memory_space<vmem>>, vector<16xf32>,
      %get3A_643 = vector.shape_cast %get3A_642 : vector<16xf32> to vector<16xf32>
      %get3A_644 = arith.constant 64 : index
      %get3A_645 = tpu.vector_load %arg19[%get3A_644] {strides = array<i32>} : memref<128xf32, #tpu.memory_space<vmem>>, vector<16xf32>,
      %get3A_646 = vector.shape_cast %get3A_645 : vector<16xf32> to vector<16xf32>
      %get3A_647 = arith.constant 64 : index
      %get3A_648 = tpu.vector_load %arg11[%get3A_647] {strides = array<i32>} : memref<128xf32, #tpu.memory_space<vmem>>, vector<16xf32>,
      %get3A_649 = vector.shape_cast %get3A_648 : vector<16xf32> to vector<16xf32>
      %get3A_650 = arith.constant 64 : index
      %get3A_651 = tpu.vector_load %arg12[%get3A_650] {strides = array<i32>} : memref<128xf32, #tpu.memory_space<vmem>>, vector<16xf32>,
      %get3A_652 = vector.shape_cast %get3A_651 : vector<16xf32> to vector<16xf32>
      %get3A_653 = arith.constant 64 : index
      %get3A_654 = tpu.vector_load %arg13[%get3A_653] {strides = array<i32>} : memref<128xf32, #tpu.memory_space<vmem>>, vector<16xf32>,
      %get3A_655 = vector.shape_cast %get3A_654 : vector<16xf32> to vector<16xf32>
      %sub3A_656 = arith.subf %get3A_643, %get3A_646 : vector<16xf32>
      %sub3A_657 = arith.subf %get3A_637, %get3A_634 : vector<16xf32>
      %sub3A_658 = arith.subf %get3A_646, %get3A_640 : vector<16xf32>
      %sub3A_659 = arith.subf %get3A_631, %get3A_637 : vector<16xf32>
      %sub3A_660 = arith.subf %get3A_640, %get3A_643 : vector<16xf32>
      %sub3A_661 = arith.subf %get3A_634, %get3A_631 : vector<16xf32>
      %mul3A_662 = arith.mulf %sub3A_659, %sub3A_656 : vector<16xf32>
      %mul3A_663 = arith.mulf %sub3A_657, %sub3A_658 : vector<16xf32>
      %sub3A_664 = arith.subf %mul3A_662, %mul3A_663 : vector<16xf32>
      %abs3A_665 = math.absf %sub3A_664 : vector<16xf32>
      %div3A_666 = arith.constant 5.000000e-01 : f32
      %div3A_667 = vector.broadcast %div3A_666 : f32 to vector<16xf32>
      %div3A_668 = arith.divf %div3A_667, %abs3A_665 : vector<16xf32>
      %mul3A_669 = arith.mulf %sub3A_656, %sub3A_656 : vector<16xf32>
      %mul3A_670 = arith.mulf %sub3A_657, %sub3A_657 : vector<16xf32>
      %add3A_671 = arith.addf %mul3A_669, %mul3A_670 : vector<16xf32>
      %mul3A_672 = arith.mulf %add3A_671, %div3A_668 : vector<16xf32>
      %mul3A_673 = arith.mulf %sub3A_658, %sub3A_658 : vector<16xf32>
      %mul3A_674 = arith.mulf %sub3A_659, %sub3A_659 : vector<16xf32>
      %add3A_675 = arith.addf %mul3A_673, %mul3A_674 : vector<16xf32>
      %mul3A_676 = arith.mulf %add3A_675, %div3A_668 : vector<16xf32>
      %mul3A_677 = arith.mulf %sub3A_660, %sub3A_660 : vector<16xf32>
      %mul3A_678 = arith.mulf %sub3A_661, %sub3A_661 : vector<16xf32>
      %add3A_679 = arith.addf %mul3A_677, %mul3A_678 : vector<16xf32>
      %mul3A_680 = arith.mulf %add3A_679, %div3A_668 : vector<16xf32>
      %mul3A_681 = arith.mulf %sub3A_656, %sub3A_658 : vector<16xf32>
      %mul3A_682 = arith.mulf %sub3A_657, %sub3A_659 : vector<16xf32>
      %add3A_683 = arith.addf %mul3A_681, %mul3A_682 : vector<16xf32>
      %mul3A_684 = arith.mulf %add3A_683, %div3A_668 : vector<16xf32>
      %mul3A_685 = arith.mulf %sub3A_658, %sub3A_660 : vector<16xf32>
      %mul3A_686 = arith.mulf %sub3A_659, %sub3A_661 : vector<16xf32>
      %add3A_687 = arith.addf %mul3A_685, %mul3A_686 : vector<16xf32>
      %mul3A_688 = arith.mulf %add3A_687, %div3A_668 : vector<16xf32>
      %mul3A_689 = arith.mulf %sub3A_660, %sub3A_656 : vector<16xf32>
      %mul3A_690 = arith.mulf %sub3A_661, %sub3A_657 : vector<16xf32>
      %add3A_691 = arith.addf %mul3A_689, %mul3A_690 : vector<16xf32>
      %mul3A_692 = arith.mulf %add3A_691, %div3A_668 : vector<16xf32>
      %mul3A_693 = arith.mulf %mul3A_672, %get3A_649 : vector<16xf32>
      %mul3A_694 = arith.mulf %mul3A_684, %get3A_652 : vector<16xf32>
      %add3A_695 = arith.addf %mul3A_693, %mul3A_694 : vector<16xf32>
      %mul3A_696 = arith.mulf %mul3A_692, %get3A_655 : vector<16xf32>
      %add3A_697 = arith.addf %add3A_695, %mul3A_696 : vector<16xf32>
      %neg3A_698 = arith.constant 0.000000e+00 : f32
      %neg3A_699 = vector.broadcast %neg3A_698 : f32 to vector<16xf32>
      %neg3A_700 = arith.subf %neg3A_699, %add3A_697 : vector<16xf32>
      %swap3A_701 = arith.constant 64 : index
      %swap3A_702 = tpu.vector_load %arg28[%swap3A_701] {strides = array<i32>} : memref<128xf32, #tpu.memory_space<vmem>>, vector<16xf32>,
      %swap3A_703 = vector.shape_cast %swap3A_702 : vector<16xf32> to vector<16xf32>
      %swap3A_704 = vector.shape_cast %neg3A_700 : vector<16xf32> to vector<16xf32>
      tpu.vector_store %arg28[%swap3A_701], %swap3A_704 {strides = array<i32>} : memref<128xf32, #tpu.memory_space<vmem>>, vector<16xf32>,
      %mul3A_705 = arith.mulf %mul3A_684, %get3A_649 : vector<16xf32>
      %mul3A_706 = arith.mulf %mul3A_676, %get3A_652 : vector<16xf32>
      %add3A_707 = arith.addf %mul3A_705, %mul3A_706 : vector<16xf32>
      %mul3A_708 = arith.mulf %mul3A_688, %get3A_655 : vector<16xf32>
      %add3A_709 = arith.addf %add3A_707, %mul3A_708 : vector<16xf32>
      %neg3A_710 = arith.constant 0.000000e+00 : f32
      %neg3A_711 = vector.broadcast %neg3A_710 : f32 to vector<16xf32>
      %neg3A_712 = arith.subf %neg3A_711, %add3A_709 : vector<16xf32>
      %swap3A_713 = arith.constant 64 : index
      %swap3A_714 = tpu.vector_load %arg29[%swap3A_713] {strides = array<i32>} : memref<128xf32, #tpu.memory_space<vmem>>, vector<16xf32>,
      %swap3A_715 = vector.shape_cast %swap3A_714 : vector<16xf32> to vector<16xf32>
      %swap3A_716 = vector.shape_cast %neg3A_712 : vector<16xf32> to vector<16xf32>
      tpu.vector_store %arg29[%swap3A_713], %swap3A_716 {strides = array<i32>} : memref<128xf32, #tpu.memory_space<vmem>>, vector<16xf32>,
      %mul3A_717 = arith.mulf %mul3A_692, %get3A_649 : vector<16xf32>
      %mul3A_718 = arith.mulf %mul3A_688, %get3A_652 : vector<16xf32>
      %add3A_719 = arith.addf %mul3A_717, %mul3A_718 : vector<16xf32>
      %mul3A_720 = arith.mulf %mul3A_680, %get3A_655 : vector<16xf32>
      %add3A_721 = arith.addf %add3A_719, %mul3A_720 : vector<16xf32>
      %neg3A_722 = arith.constant 0.000000e+00 : f32
      %neg3A_723 = vector.broadcast %neg3A_722 : f32 to vector<16xf32>
      %neg3A_724 = arith.subf %neg3A_723, %add3A_721 : vector<16xf32>
      %swap3A_725 = arith.constant 64 : index
      %swap3A_726 = tpu.vector_load %arg30[%swap3A_725] {strides = array<i32>} : memref<128xf32, #tpu.memory_space<vmem>>, vector<16xf32>,
      %swap3A_727 = vector.shape_cast %swap3A_726 : vector<16xf32> to vector<16xf32>
      %swap3A_728 = vector.shape_cast %neg3A_724 : vector<16xf32> to vector<16xf32>
      tpu.vector_store %arg30[%swap3A_725], %swap3A_728 {strides = array<i32>} : memref<128xf32, #tpu.memory_space<vmem>>, vector<16xf32>,
      %get3A_729 = arith.constant 80 : index
      %get3A_730 = tpu.vector_load %arg14[%get3A_729] {strides = array<i32>} : memref<128xf32, #tpu.memory_space<vmem>>, vector<16xf32>,
      %get3A_731 = vector.shape_cast %get3A_730 : vector<16xf32> to vector<16xf32>
      %get3A_732 = arith.constant 80 : index
      %get3A_733 = tpu.vector_load %arg15[%get3A_732] {strides = array<i32>} : memref<128xf32, #tpu.memory_space<vmem>>, vector<16xf32>,
      %get3A_734 = vector.shape_cast %get3A_733 : vector<16xf32> to vector<16xf32>
      %get3A_735 = arith.constant 80 : index
      %get3A_736 = tpu.vector_load %arg16[%get3A_735] {strides = array<i32>} : memref<128xf32, #tpu.memory_space<vmem>>, vector<16xf32>,
      %get3A_737 = vector.shape_cast %get3A_736 : vector<16xf32> to vector<16xf32>
      %get3A_738 = arith.constant 80 : index
      %get3A_739 = tpu.vector_load %arg17[%get3A_738] {strides = array<i32>} : memref<128xf32, #tpu.memory_space<vmem>>, vector<16xf32>,
      %get3A_740 = vector.shape_cast %get3A_739 : vector<16xf32> to vector<16xf32>
      %get3A_741 = arith.constant 80 : index
      %get3A_742 = tpu.vector_load %arg18[%get3A_741] {strides = array<i32>} : memref<128xf32, #tpu.memory_space<vmem>>, vector<16xf32>,
      %get3A_743 = vector.shape_cast %get3A_742 : vector<16xf32> to vector<16xf32>
      %get3A_744 = arith.constant 80 : index
      %get3A_745 = tpu.vector_load %arg19[%get3A_744] {strides = array<i32>} : memref<128xf32, #tpu.memory_space<vmem>>, vector<16xf32>,
      %get3A_746 = vector.shape_cast %get3A_745 : vector<16xf32> to vector<16xf32>
      %get3A_747 = arith.constant 80 : index
      %get3A_748 = tpu.vector_load %arg11[%get3A_747] {strides = array<i32>} : memref<128xf32, #tpu.memory_space<vmem>>, vector<16xf32>,
      %get3A_749 = vector.shape_cast %get3A_748 : vector<16xf32> to vector<16xf32>
      %get3A_750 = arith.constant 80 : index
      %get3A_751 = tpu.vector_load %arg12[%get3A_750] {strides = array<i32>} : memref<128xf32, #tpu.memory_space<vmem>>, vector<16xf32>,
      %get3A_752 = vector.shape_cast %get3A_751 : vector<16xf32> to vector<16xf32>
      %get3A_753 = arith.constant 80 : index
      %get3A_754 = tpu.vector_load %arg13[%get3A_753] {strides = array<i32>} : memref<128xf32, #tpu.memory_space<vmem>>, vector<16xf32>,
      %get3A_755 = vector.shape_cast %get3A_754 : vector<16xf32> to vector<16xf32>
      %sub3A_756 = arith.subf %get3A_743, %get3A_746 : vector<16xf32>
      %sub3A_757 = arith.subf %get3A_737, %get3A_734 : vector<16xf32>
      %sub3A_758 = arith.subf %get3A_746, %get3A_740 : vector<16xf32>
      %sub3A_759 = arith.subf %get3A_731, %get3A_737 : vector<16xf32>
      %sub3A_760 = arith.subf %get3A_740, %get3A_743 : vector<16xf32>
      %sub3A_761 = arith.subf %get3A_734, %get3A_731 : vector<16xf32>
      %mul3A_762 = arith.mulf %sub3A_759, %sub3A_756 : vector<16xf32>
      %mul3A_763 = arith.mulf %sub3A_757, %sub3A_758 : vector<16xf32>
      %sub3A_764 = arith.subf %mul3A_762, %mul3A_763 : vector<16xf32>
      %abs3A_765 = math.absf %sub3A_764 : vector<16xf32>
      %div3A_766 = arith.constant 5.000000e-01 : f32
      %div3A_767 = vector.broadcast %div3A_766 : f32 to vector<16xf32>
      %div3A_768 = arith.divf %div3A_767, %abs3A_765 : vector<16xf32>
      %mul3A_769 = arith.mulf %sub3A_756, %sub3A_756 : vector<16xf32>
      %mul3A_770 = arith.mulf %sub3A_757, %sub3A_757 : vector<16xf32>
      %add3A_771 = arith.addf %mul3A_769, %mul3A_770 : vector<16xf32>
      %mul3A_772 = arith.mulf %add3A_771, %div3A_768 : vector<16xf32>
      %mul3A_773 = arith.mulf %sub3A_758, %sub3A_758 : vector<16xf32>
      %mul3A_774 = arith.mulf %sub3A_759, %sub3A_759 : vector<16xf32>
      %add3A_775 = arith.addf %mul3A_773, %mul3A_774 : vector<16xf32>
      %mul3A_776 = arith.mulf %add3A_775, %div3A_768 : vector<16xf32>
      %mul3A_777 = arith.mulf %sub3A_760, %sub3A_760 : vector<16xf32>
      %mul3A_778 = arith.mulf %sub3A_761, %sub3A_761 : vector<16xf32>
      %add3A_779 = arith.addf %mul3A_777, %mul3A_778 : vector<16xf32>
      %mul3A_780 = arith.mulf %add3A_779, %div3A_768 : vector<16xf32>
      %mul3A_781 = arith.mulf %sub3A_756, %sub3A_758 : vector<16xf32>
      %mul3A_782 = arith.mulf %sub3A_757, %sub3A_759 : vector<16xf32>
      %add3A_783 = arith.addf %mul3A_781, %mul3A_782 : vector<16xf32>
      %mul3A_784 = arith.mulf %add3A_783, %div3A_768 : vector<16xf32>
      %mul3A_785 = arith.mulf %sub3A_758, %sub3A_760 : vector<16xf32>
      %mul3A_786 = arith.mulf %sub3A_759, %sub3A_761 : vector<16xf32>
      %add3A_787 = arith.addf %mul3A_785, %mul3A_786 : vector<16xf32>
      %mul3A_788 = arith.mulf %add3A_787, %div3A_768 : vector<16xf32>
      %mul3A_789 = arith.mulf %sub3A_760, %sub3A_756 : vector<16xf32>
      %mul3A_790 = arith.mulf %sub3A_761, %sub3A_757 : vector<16xf32>
      %add3A_791 = arith.addf %mul3A_789, %mul3A_790 : vector<16xf32>
      %mul3A_792 = arith.mulf %add3A_791, %div3A_768 : vector<16xf32>
      %mul3A_793 = arith.mulf %mul3A_772, %get3A_749 : vector<16xf32>
      %mul3A_794 = arith.mulf %mul3A_784, %get3A_752 : vector<16xf32>
      %add3A_795 = arith.addf %mul3A_793, %mul3A_794 : vector<16xf32>
      %mul3A_796 = arith.mulf %mul3A_792, %get3A_755 : vector<16xf32>
      %add3A_797 = arith.addf %add3A_795, %mul3A_796 : vector<16xf32>
      %neg3A_798 = arith.constant 0.000000e+00 : f32
      %neg3A_799 = vector.broadcast %neg3A_798 : f32 to vector<16xf32>
      %neg3A_800 = arith.subf %neg3A_799, %add3A_797 : vector<16xf32>
      %swap3A_801 = arith.constant 80 : index
      %swap3A_802 = tpu.vector_load %arg28[%swap3A_801] {strides = array<i32>} : memref<128xf32, #tpu.memory_space<vmem>>, vector<16xf32>,
      %swap3A_803 = vector.shape_cast %swap3A_802 : vector<16xf32> to vector<16xf32>
      %swap3A_804 = vector.shape_cast %neg3A_800 : vector<16xf32> to vector<16xf32>
      tpu.vector_store %arg28[%swap3A_801], %swap3A_804 {strides = array<i32>} : memref<128xf32, #tpu.memory_space<vmem>>, vector<16xf32>,
      %mul3A_805 = arith.mulf %mul3A_784, %get3A_749 : vector<16xf32>
      %mul3A_806 = arith.mulf %mul3A_776, %get3A_752 : vector<16xf32>
      %add3A_807 = arith.addf %mul3A_805, %mul3A_806 : vector<16xf32>
      %mul3A_808 = arith.mulf %mul3A_788, %get3A_755 : vector<16xf32>
      %add3A_809 = arith.addf %add3A_807, %mul3A_808 : vector<16xf32>
      %neg3A_810 = arith.constant 0.000000e+00 : f32
      %neg3A_811 = vector.broadcast %neg3A_810 : f32 to vector<16xf32>
      %neg3A_812 = arith.subf %neg3A_811, %add3A_809 : vector<16xf32>
      %swap3A_813 = arith.constant 80 : index
      %swap3A_814 = tpu.vector_load %arg29[%swap3A_813] {strides = array<i32>} : memref<128xf32, #tpu.memory_space<vmem>>, vector<16xf32>,
      %swap3A_815 = vector.shape_cast %swap3A_814 : vector<16xf32> to vector<16xf32>
      %swap3A_816 = vector.shape_cast %neg3A_812 : vector<16xf32> to vector<16xf32>
      tpu.vector_store %arg29[%swap3A_813], %swap3A_816 {strides = array<i32>} : memref<128xf32, #tpu.memory_space<vmem>>, vector<16xf32>,
      %mul3A_817 = arith.mulf %mul3A_792, %get3A_749 : vector<16xf32>
      %mul3A_818 = arith.mulf %mul3A_788, %get3A_752 : vector<16xf32>
      %add3A_819 = arith.addf %mul3A_817, %mul3A_818 : vector<16xf32>
      %mul3A_820 = arith.mulf %mul3A_780, %get3A_755 : vector<16xf32>
      %add3A_821 = arith.addf %add3A_819, %mul3A_820 : vector<16xf32>
      %neg3A_822 = arith.constant 0.000000e+00 : f32
      %neg3A_823 = vector.broadcast %neg3A_822 : f32 to vector<16xf32>
      %neg3A_824 = arith.subf %neg3A_823, %add3A_821 : vector<16xf32>
      %swap3A_825 = arith.constant 80 : index
      %swap3A_826 = tpu.vector_load %arg30[%swap3A_825] {strides = array<i32>} : memref<128xf32, #tpu.memory_space<vmem>>, vector<16xf32>,
      %swap3A_827 = vector.shape_cast %swap3A_826 : vector<16xf32> to vector<16xf32>
      %swap3A_828 = vector.shape_cast %neg3A_824 : vector<16xf32> to vector<16xf32>
      tpu.vector_store %arg30[%swap3A_825], %swap3A_828 {strides = array<i32>} : memref<128xf32, #tpu.memory_space<vmem>>, vector<16xf32>,
      %get3A_829 = arith.constant 96 : index
      %get3A_830 = tpu.vector_load %arg14[%get3A_829] {strides = array<i32>} : memref<128xf32, #tpu.memory_space<vmem>>, vector<16xf32>,
      %get3A_831 = vector.shape_cast %get3A_830 : vector<16xf32> to vector<16xf32>
      %get3A_832 = arith.constant 96 : index
      %get3A_833 = tpu.vector_load %arg15[%get3A_832] {strides = array<i32>} : memref<128xf32, #tpu.memory_space<vmem>>, vector<16xf32>,
      %get3A_834 = vector.shape_cast %get3A_833 : vector<16xf32> to vector<16xf32>
      %get3A_835 = arith.constant 96 : index
      %get3A_836 = tpu.vector_load %arg16[%get3A_835] {strides = array<i32>} : memref<128xf32, #tpu.memory_space<vmem>>, vector<16xf32>,
      %get3A_837 = vector.shape_cast %get3A_836 : vector<16xf32> to vector<16xf32>
      %get3A_838 = arith.constant 96 : index
      %get3A_839 = tpu.vector_load %arg17[%get3A_838] {strides = array<i32>} : memref<128xf32, #tpu.memory_space<vmem>>, vector<16xf32>,
      %get3A_840 = vector.shape_cast %get3A_839 : vector<16xf32> to vector<16xf32>
      %get3A_841 = arith.constant 96 : index
      %get3A_842 = tpu.vector_load %arg18[%get3A_841] {strides = array<i32>} : memref<128xf32, #tpu.memory_space<vmem>>, vector<16xf32>,
      %get3A_843 = vector.shape_cast %get3A_842 : vector<16xf32> to vector<16xf32>
      %get3A_844 = arith.constant 96 : index
      %get3A_845 = tpu.vector_load %arg19[%get3A_844] {strides = array<i32>} : memref<128xf32, #tpu.memory_space<vmem>>, vector<16xf32>,
      %get3A_846 = vector.shape_cast %get3A_845 : vector<16xf32> to vector<16xf32>
      %get3A_847 = arith.constant 96 : index
      %get3A_848 = tpu.vector_load %arg11[%get3A_847] {strides = array<i32>} : memref<128xf32, #tpu.memory_space<vmem>>, vector<16xf32>,
      %get3A_849 = vector.shape_cast %get3A_848 : vector<16xf32> to vector<16xf32>
      %get3A_850 = arith.constant 96 : index
      %get3A_851 = tpu.vector_load %arg12[%get3A_850] {strides = array<i32>} : memref<128xf32, #tpu.memory_space<vmem>>, vector<16xf32>,
      %get3A_852 = vector.shape_cast %get3A_851 : vector<16xf32> to vector<16xf32>
      %get3A_853 = arith.constant 96 : index
      %get3A_854 = tpu.vector_load %arg13[%get3A_853] {strides = array<i32>} : memref<128xf32, #tpu.memory_space<vmem>>, vector<16xf32>,
      %get3A_855 = vector.shape_cast %get3A_854 : vector<16xf32> to vector<16xf32>
      %sub3A_856 = arith.subf %get3A_843, %get3A_846 : vector<16xf32>
      %sub3A_857 = arith.subf %get3A_837, %get3A_834 : vector<16xf32>
      %sub3A_858 = arith.subf %get3A_846, %get3A_840 : vector<16xf32>
      %sub3A_859 = arith.subf %get3A_831, %get3A_837 : vector<16xf32>
      %sub3A_860 = arith.subf %get3A_840, %get3A_843 : vector<16xf32>
      %sub3A_861 = arith.subf %get3A_834, %get3A_831 : vector<16xf32>
      %mul3A_862 = arith.mulf %sub3A_859, %sub3A_856 : vector<16xf32>
      %mul3A_863 = arith.mulf %sub3A_857, %sub3A_858 : vector<16xf32>
      %sub3A_864 = arith.subf %mul3A_862, %mul3A_863 : vector<16xf32>
      %abs3A_865 = math.absf %sub3A_864 : vector<16xf32>
      %div3A_866 = arith.constant 5.000000e-01 : f32
      %div3A_867 = vector.broadcast %div3A_866 : f32 to vector<16xf32>
      %div3A_868 = arith.divf %div3A_867, %abs3A_865 : vector<16xf32>
      %mul3A_869 = arith.mulf %sub3A_856, %sub3A_856 : vector<16xf32>
      %mul3A_870 = arith.mulf %sub3A_857, %sub3A_857 : vector<16xf32>
      %add3A_871 = arith.addf %mul3A_869, %mul3A_870 : vector<16xf32>
      %mul3A_872 = arith.mulf %add3A_871, %div3A_868 : vector<16xf32>
      %mul3A_873 = arith.mulf %sub3A_858, %sub3A_858 : vector<16xf32>
      %mul3A_874 = arith.mulf %sub3A_859, %sub3A_859 : vector<16xf32>
      %add3A_875 = arith.addf %mul3A_873, %mul3A_874 : vector<16xf32>
      %mul3A_876 = arith.mulf %add3A_875, %div3A_868 : vector<16xf32>
      %mul3A_877 = arith.mulf %sub3A_860, %sub3A_860 : vector<16xf32>
      %mul3A_878 = arith.mulf %sub3A_861, %sub3A_861 : vector<16xf32>
      %add3A_879 = arith.addf %mul3A_877, %mul3A_878 : vector<16xf32>
      %mul3A_880 = arith.mulf %add3A_879, %div3A_868 : vector<16xf32>
      %mul3A_881 = arith.mulf %sub3A_856, %sub3A_858 : vector<16xf32>
      %mul3A_882 = arith.mulf %sub3A_857, %sub3A_859 : vector<16xf32>
      %add3A_883 = arith.addf %mul3A_881, %mul3A_882 : vector<16xf32>
      %mul3A_884 = arith.mulf %add3A_883, %div3A_868 : vector<16xf32>
      %mul3A_885 = arith.mulf %sub3A_858, %sub3A_860 : vector<16xf32>
      %mul3A_886 = arith.mulf %sub3A_859, %sub3A_861 : vector<16xf32>
      %add3A_887 = arith.addf %mul3A_885, %mul3A_886 : vector<16xf32>
      %mul3A_888 = arith.mulf %add3A_887, %div3A_868 : vector<16xf32>
      %mul3A_889 = arith.mulf %sub3A_860, %sub3A_856 : vector<16xf32>
      %mul3A_890 = arith.mulf %sub3A_861, %sub3A_857 : vector<16xf32>
      %add3A_891 = arith.addf %mul3A_889, %mul3A_890 : vector<16xf32>
      %mul3A_892 = arith.mulf %add3A_891, %div3A_868 : vector<16xf32>
      %mul3A_893 = arith.mulf %mul3A_872, %get3A_849 : vector<16xf32>
      %mul3A_894 = arith.mulf %mul3A_884, %get3A_852 : vector<16xf32>
      %add3A_895 = arith.addf %mul3A_893, %mul3A_894 : vector<16xf32>
      %mul3A_896 = arith.mulf %mul3A_892, %get3A_855 : vector<16xf32>
      %add3A_897 = arith.addf %add3A_895, %mul3A_896 : vector<16xf32>
      %neg3A_898 = arith.constant 0.000000e+00 : f32
      %neg3A_899 = vector.broadcast %neg3A_898 : f32 to vector<16xf32>
      %neg3A_900 = arith.subf %neg3A_899, %add3A_897 : vector<16xf32>
      %swap3A_901 = arith.constant 96 : index
      %swap3A_902 = tpu.vector_load %arg28[%swap3A_901] {strides = array<i32>} : memref<128xf32, #tpu.memory_space<vmem>>, vector<16xf32>,
      %swap3A_903 = vector.shape_cast %swap3A_902 : vector<16xf32> to vector<16xf32>
      %swap3A_904 = vector.shape_cast %neg3A_900 : vector<16xf32> to vector<16xf32>
      tpu.vector_store %arg28[%swap3A_901], %swap3A_904 {strides = array<i32>} : memref<128xf32, #tpu.memory_space<vmem>>, vector<16xf32>,
      %mul3A_905 = arith.mulf %mul3A_884, %get3A_849 : vector<16xf32>
      %mul3A_906 = arith.mulf %mul3A_876, %get3A_852 : vector<16xf32>
      %add3A_907 = arith.addf %mul3A_905, %mul3A_906 : vector<16xf32>
      %mul3A_908 = arith.mulf %mul3A_888, %get3A_855 : vector<16xf32>
      %add3A_909 = arith.addf %add3A_907, %mul3A_908 : vector<16xf32>
      %neg3A_910 = arith.constant 0.000000e+00 : f32
      %neg3A_911 = vector.broadcast %neg3A_910 : f32 to vector<16xf32>
      %neg3A_912 = arith.subf %neg3A_911, %add3A_909 : vector<16xf32>
      %swap3A_913 = arith.constant 96 : index
      %swap3A_914 = tpu.vector_load %arg29[%swap3A_913] {strides = array<i32>} : memref<128xf32, #tpu.memory_space<vmem>>, vector<16xf32>,
      %swap3A_915 = vector.shape_cast %swap3A_914 : vector<16xf32> to vector<16xf32>
      %swap3A_916 = vector.shape_cast %neg3A_912 : vector<16xf32> to vector<16xf32>
      tpu.vector_store %arg29[%swap3A_913], %swap3A_916 {strides = array<i32>} : memref<128xf32, #tpu.memory_space<vmem>>, vector<16xf32>,
      %mul3A_917 = arith.mulf %mul3A_892, %get3A_849 : vector<16xf32>
      %mul3A_918 = arith.mulf %mul3A_888, %get3A_852 : vector<16xf32>
      %add3A_919 = arith.addf %mul3A_917, %mul3A_918 : vector<16xf32>
      %mul3A_920 = arith.mulf %mul3A_880, %get3A_855 : vector<16xf32>
      %add3A_921 = arith.addf %add3A_919, %mul3A_920 : vector<16xf32>
      %neg3A_922 = arith.constant 0.000000e+00 : f32
      %neg3A_923 = vector.broadcast %neg3A_922 : f32 to vector<16xf32>
      %neg3A_924 = arith.subf %neg3A_923, %add3A_921 : vector<16xf32>
      %swap3A_925 = arith.constant 96 : index
      %swap3A_926 = tpu.vector_load %arg30[%swap3A_925] {strides = array<i32>} : memref<128xf32, #tpu.memory_space<vmem>>, vector<16xf32>,
      %swap3A_927 = vector.shape_cast %swap3A_926 : vector<16xf32> to vector<16xf32>
      %swap3A_928 = vector.shape_cast %neg3A_924 : vector<16xf32> to vector<16xf32>
      tpu.vector_store %arg30[%swap3A_925], %swap3A_928 {strides = array<i32>} : memref<128xf32, #tpu.memory_space<vmem>>, vector<16xf32>,
      %get3A_929 = arith.constant 112 : index
      %get3A_930 = tpu.vector_load %arg14[%get3A_929] {strides = array<i32>} : memref<128xf32, #tpu.memory_space<vmem>>, vector<16xf32>,
      %get3A_931 = vector.shape_cast %get3A_930 : vector<16xf32> to vector<16xf32>
      %get3A_932 = arith.constant 112 : index
      %get3A_933 = tpu.vector_load %arg15[%get3A_932] {strides = array<i32>} : memref<128xf32, #tpu.memory_space<vmem>>, vector<16xf32>,
      %get3A_934 = vector.shape_cast %get3A_933 : vector<16xf32> to vector<16xf32>
      %get3A_935 = arith.constant 112 : index
      %get3A_936 = tpu.vector_load %arg16[%get3A_935] {strides = array<i32>} : memref<128xf32, #tpu.memory_space<vmem>>, vector<16xf32>,
      %get3A_937 = vector.shape_cast %get3A_936 : vector<16xf32> to vector<16xf32>
      %get3A_938 = arith.constant 112 : index
      %get3A_939 = tpu.vector_load %arg17[%get3A_938] {strides = array<i32>} : memref<128xf32, #tpu.memory_space<vmem>>, vector<16xf32>,
      %get3A_940 = vector.shape_cast %get3A_939 : vector<16xf32> to vector<16xf32>
      %get3A_941 = arith.constant 112 : index
      %get3A_942 = tpu.vector_load %arg18[%get3A_941] {strides = array<i32>} : memref<128xf32, #tpu.memory_space<vmem>>, vector<16xf32>,
      %get3A_943 = vector.shape_cast %get3A_942 : vector<16xf32> to vector<16xf32>
      %get3A_944 = arith.constant 112 : index
      %get3A_945 = tpu.vector_load %arg19[%get3A_944] {strides = array<i32>} : memref<128xf32, #tpu.memory_space<vmem>>, vector<16xf32>,
      %get3A_946 = vector.shape_cast %get3A_945 : vector<16xf32> to vector<16xf32>
      %get3A_947 = arith.constant 112 : index
      %get3A_948 = tpu.vector_load %arg11[%get3A_947] {strides = array<i32>} : memref<128xf32, #tpu.memory_space<vmem>>, vector<16xf32>,
      %get3A_949 = vector.shape_cast %get3A_948 : vector<16xf32> to vector<16xf32>
      %get3A_950 = arith.constant 112 : index
      %get3A_951 = tpu.vector_load %arg12[%get3A_950] {strides = array<i32>} : memref<128xf32, #tpu.memory_space<vmem>>, vector<16xf32>,
      %get3A_952 = vector.shape_cast %get3A_951 : vector<16xf32> to vector<16xf32>
      %get3A_953 = arith.constant 112 : index
      %get3A_954 = tpu.vector_load %arg13[%get3A_953] {strides = array<i32>} : memref<128xf32, #tpu.memory_space<vmem>>, vector<16xf32>,
      %get3A_955 = vector.shape_cast %get3A_954 : vector<16xf32> to vector<16xf32>
      %sub3A_956 = arith.subf %get3A_943, %get3A_946 : vector<16xf32>
      %sub3A_957 = arith.subf %get3A_937, %get3A_934 : vector<16xf32>
      %sub3A_958 = arith.subf %get3A_946, %get3A_940 : vector<16xf32>
      %sub3A_959 = arith.subf %get3A_931, %get3A_937 : vector<16xf32>
      %sub3A_960 = arith.subf %get3A_940, %get3A_943 : vector<16xf32>
      %sub3A_961 = arith.subf %get3A_934, %get3A_931 : vector<16xf32>
      %mul3A_962 = arith.mulf %sub3A_959, %sub3A_956 : vector<16xf32>
      %mul3A_963 = arith.mulf %sub3A_957, %sub3A_958 : vector<16xf32>
      %sub3A_964 = arith.subf %mul3A_962, %mul3A_963 : vector<16xf32>
      %abs3A_965 = math.absf %sub3A_964 : vector<16xf32>
      %div3A_966 = arith.constant 5.000000e-01 : f32
      %div3A_967 = vector.broadcast %div3A_966 : f32 to vector<16xf32>
      %div3A_968 = arith.divf %div3A_967, %abs3A_965 : vector<16xf32>
      %mul3A_969 = arith.mulf %sub3A_956, %sub3A_956 : vector<16xf32>
      %mul3A_970 = arith.mulf %sub3A_957, %sub3A_957 : vector<16xf32>
      %add3A_971 = arith.addf %mul3A_969, %mul3A_970 : vector<16xf32>
      %mul3A_972 = arith.mulf %add3A_971, %div3A_968 : vector<16xf32>
      %mul3A_973 = arith.mulf %sub3A_958, %sub3A_958 : vector<16xf32>
      %mul3A_974 = arith.mulf %sub3A_959, %sub3A_959 : vector<16xf32>
      %add3A_975 = arith.addf %mul3A_973, %mul3A_974 : vector<16xf32>
      %mul3A_976 = arith.mulf %add3A_975, %div3A_968 : vector<16xf32>
      %mul3A_977 = arith.mulf %sub3A_960, %sub3A_960 : vector<16xf32>
      %mul3A_978 = arith.mulf %sub3A_961, %sub3A_961 : vector<16xf32>
      %add3A_979 = arith.addf %mul3A_977, %mul3A_978 : vector<16xf32>
      %mul3A_980 = arith.mulf %add3A_979, %div3A_968 : vector<16xf32>
      %mul3A_981 = arith.mulf %sub3A_956, %sub3A_958 : vector<16xf32>
      %mul3A_982 = arith.mulf %sub3A_957, %sub3A_959 : vector<16xf32>
      %add3A_983 = arith.addf %mul3A_981, %mul3A_982 : vector<16xf32>
      %mul3A_984 = arith.mulf %add3A_983, %div3A_968 : vector<16xf32>
      %mul3A_985 = arith.mulf %sub3A_958, %sub3A_960 : vector<16xf32>
      %mul3A_986 = arith.mulf %sub3A_959, %sub3A_961 : vector<16xf32>
      %add3A_987 = arith.addf %mul3A_985, %mul3A_986 : vector<16xf32>
      %mul3A_988 = arith.mulf %add3A_987, %div3A_968 : vector<16xf32>
      %mul3A_989 = arith.mulf %sub3A_960, %sub3A_956 : vector<16xf32>
      %mul3A_990 = arith.mulf %sub3A_961, %sub3A_957 : vector<16xf32>
      %add3A_991 = arith.addf %mul3A_989, %mul3A_990 : vector<16xf32>
      %mul3A_992 = arith.mulf %add3A_991, %div3A_968 : vector<16xf32>
      %mul3A_993 = arith.mulf %mul3A_972, %get3A_949 : vector<16xf32>
      %mul3A_994 = arith.mulf %mul3A_984, %get3A_952 : vector<16xf32>
      %add3A_995 = arith.addf %mul3A_993, %mul3A_994 : vector<16xf32>
      %mul3A_996 = arith.mulf %mul3A_992, %get3A_955 : vector<16xf32>
      %add3A_997 = arith.addf %add3A_995, %mul3A_996 : vector<16xf32>
      %neg3A_998 = arith.constant 0.000000e+00 : f32
      %neg3A_999 = vector.broadcast %neg3A_998 : f32 to vector<16xf32>
      %neg3A_1000 = arith.subf %neg3A_999, %add3A_997 : vector<16xf32>
      %swap3A_1001 = arith.constant 112 : index
      %swap3A_1002 = tpu.vector_load %arg28[%swap3A_1001] {strides = array<i32>} : memref<128xf32, #tpu.memory_space<vmem>>, vector<16xf32>,
      %swap3A_1003 = vector.shape_cast %swap3A_1002 : vector<16xf32> to vector<16xf32>
      %swap3A_1004 = vector.shape_cast %neg3A_1000 : vector<16xf32> to vector<16xf32>
      tpu.vector_store %arg28[%swap3A_1001], %swap3A_1004 {strides = array<i32>} : memref<128xf32, #tpu.memory_space<vmem>>, vector<16xf32>,
      %mul3A_1005 = arith.mulf %mul3A_984, %get3A_949 : vector<16xf32>
      %mul3A_1006 = arith.mulf %mul3A_976, %get3A_952 : vector<16xf32>
      %add3A_1007 = arith.addf %mul3A_1005, %mul3A_1006 : vector<16xf32>
      %mul3A_1008 = arith.mulf %mul3A_988, %get3A_955 : vector<16xf32>
      %add3A_1009 = arith.addf %add3A_1007, %mul3A_1008 : vector<16xf32>
      %neg3A_1010 = arith.constant 0.000000e+00 : f32
      %neg3A_1011 = vector.broadcast %neg3A_1010 : f32 to vector<16xf32>
      %neg3A_1012 = arith.subf %neg3A_1011, %add3A_1009 : vector<16xf32>
      %swap3A_1013 = arith.constant 112 : index
      %swap3A_1014 = tpu.vector_load %arg29[%swap3A_1013] {strides = array<i32>} : memref<128xf32, #tpu.memory_space<vmem>>, vector<16xf32>,
      %swap3A_1015 = vector.shape_cast %swap3A_1014 : vector<16xf32> to vector<16xf32>
      %swap3A_1016 = vector.shape_cast %neg3A_1012 : vector<16xf32> to vector<16xf32>
      tpu.vector_store %arg29[%swap3A_1013], %swap3A_1016 {strides = array<i32>} : memref<128xf32, #tpu.memory_space<vmem>>, vector<16xf32>,
      %mul3A_1017 = arith.mulf %mul3A_992, %get3A_949 : vector<16xf32>
      %mul3A_1018 = arith.mulf %mul3A_988, %get3A_952 : vector<16xf32>
      %add3A_1019 = arith.addf %mul3A_1017, %mul3A_1018 : vector<16xf32>
      %mul3A_1020 = arith.mulf %mul3A_980, %get3A_955 : vector<16xf32>
      %add3A_1021 = arith.addf %add3A_1019, %mul3A_1020 : vector<16xf32>
      %neg3A_1022 = arith.constant 0.000000e+00 : f32
      %neg3A_1023 = vector.broadcast %neg3A_1022 : f32 to vector<16xf32>
      %neg3A_1024 = arith.subf %neg3A_1023, %add3A_1021 : vector<16xf32>
      %swap3A_1025 = arith.constant 112 : index
      %swap3A_1026 = tpu.vector_load %arg30[%swap3A_1025] {strides = array<i32>} : memref<128xf32, #tpu.memory_space<vmem>>, vector<16xf32>,
      %swap3A_1027 = vector.shape_cast %swap3A_1026 : vector<16xf32> to vector<16xf32>
      %swap3A_1028 = vector.shape_cast %neg3A_1024 : vector<16xf32> to vector<16xf32>
      tpu.vector_store %arg30[%swap3A_1025], %swap3A_1028 {strides = array<i32>} : memref<128xf32, #tpu.memory_space<vmem>>, vector<16xf32>,
      "tpu.region"() ({
        %run_scoped3A = tpu.sem_alloc : memref<!tpu.dma_semaphore, #tpu.memory_space<semaphore_mem>>
        %dma_start3A_1029 = arith.constant 0 : i32
        %dma_start3A_1030 = tpu.memref_slice %arg10[%dma_start3A_1029] : memref<102400xf32, #tpu.memory_space<vmem_shared>> -> memref<102400xf32, #tpu.memory_space<vmem_shared>>
        tpu.enqueue_indirect_dma source(%arg28 : memref<128xf32, #tpu.memory_space<vmem>>) target(%dma_start3A_1030 : memref<102400xf32, #tpu.memory_space<vmem_shared>>) offsets(%arg21 : memref<128xi32, #tpu.memory_space<vmem>>) semaphore(%run_scoped3A : memref<!tpu.dma_semaphore, #tpu.memory_space<semaphore_mem>>) {add = true}
        %dma_wait3A_1031 = arith.constant 0 : i32
        %dma_wait3A_1032 = tpu.memref_slice %arg10[%dma_wait3A_1031] : memref<102400xf32, #tpu.memory_space<vmem_shared>> -> memref<102400xf32, #tpu.memory_space<vmem_shared>>
        tpu.wait_indirect_dma semaphore(%run_scoped3A : memref<!tpu.dma_semaphore, #tpu.memory_space<semaphore_mem>>) src(%arg28 : memref<128xf32, #tpu.memory_space<vmem>>) dst(%dma_wait3A_1032 : memref<102400xf32, #tpu.memory_space<vmem_shared>>)
        tpu.yield
      }) : () -> ()
      "tpu.region"() ({
        %run_scoped3A = tpu.sem_alloc : memref<!tpu.dma_semaphore, #tpu.memory_space<semaphore_mem>>
        %dma_start3A_1029 = arith.constant 0 : i32
        %dma_start3A_1030 = tpu.memref_slice %arg10[%dma_start3A_1029] : memref<102400xf32, #tpu.memory_space<vmem_shared>> -> memref<102400xf32, #tpu.memory_space<vmem_shared>>
        tpu.enqueue_indirect_dma source(%arg29 : memref<128xf32, #tpu.memory_space<vmem>>) target(%dma_start3A_1030 : memref<102400xf32, #tpu.memory_space<vmem_shared>>) offsets(%arg23 : memref<128xi32, #tpu.memory_space<vmem>>) semaphore(%run_scoped3A : memref<!tpu.dma_semaphore, #tpu.memory_space<semaphore_mem>>) {add = true}
        %dma_wait3A_1031 = arith.constant 0 : i32
        %dma_wait3A_1032 = tpu.memref_slice %arg10[%dma_wait3A_1031] : memref<102400xf32, #tpu.memory_space<vmem_shared>> -> memref<102400xf32, #tpu.memory_space<vmem_shared>>
        tpu.wait_indirect_dma semaphore(%run_scoped3A : memref<!tpu.dma_semaphore, #tpu.memory_space<semaphore_mem>>) src(%arg29 : memref<128xf32, #tpu.memory_space<vmem>>) dst(%dma_wait3A_1032 : memref<102400xf32, #tpu.memory_space<vmem_shared>>)
        tpu.yield
      }) : () -> ()
      "tpu.region"() ({
        %run_scoped3A = tpu.sem_alloc : memref<!tpu.dma_semaphore, #tpu.memory_space<semaphore_mem>>
        %dma_start3A_1029 = arith.constant 0 : i32
        %dma_start3A_1030 = tpu.memref_slice %arg10[%dma_start3A_1029] : memref<102400xf32, #tpu.memory_space<vmem_shared>> -> memref<102400xf32, #tpu.memory_space<vmem_shared>>
        tpu.enqueue_indirect_dma source(%arg30 : memref<128xf32, #tpu.memory_space<vmem>>) target(%dma_start3A_1030 : memref<102400xf32, #tpu.memory_space<vmem_shared>>) offsets(%arg25 : memref<128xi32, #tpu.memory_space<vmem>>) semaphore(%run_scoped3A : memref<!tpu.dma_semaphore, #tpu.memory_space<semaphore_mem>>) {add = true}
        %dma_wait3A_1031 = arith.constant 0 : i32
        %dma_wait3A_1032 = tpu.memref_slice %arg10[%dma_wait3A_1031] : memref<102400xf32, #tpu.memory_space<vmem_shared>> -> memref<102400xf32, #tpu.memory_space<vmem_shared>>
        tpu.wait_indirect_dma semaphore(%run_scoped3A : memref<!tpu.dma_semaphore, #tpu.memory_space<semaphore_mem>>) src(%arg30 : memref<128xf32, #tpu.memory_space<vmem>>) dst(%dma_wait3A_1032 : memref<102400xf32, #tpu.memory_space<vmem_shared>>)
        tpu.yield
      }) : () -> ()
    }
    %scan3A_9 = arith.constant 49 : i32
    %barrier3A_10 = arith.constant 0 : index
    tpu.barrier barrier_id(%barrier3A_10)
    %mul3A_11 = arith.constant 102400 : i32
    %mul3A_12 = arith.muli %arg0, %mul3A_11 : i32
    %add3A_13 = arith.addi %mul3A_12, %mul3A_2 : i32
    "tpu.region"() ({
      %run_scoped3A = tpu.sem_alloc : memref<!tpu.dma_semaphore, #tpu.memory_space<semaphore_mem>>
      %dma_start3A = tpu.memref_slice %arg9[%add3A_13] : memref<204800xf32, #tpu.memory_space<hbm>> -> memref<6400xf32, #tpu.memory_space<hbm>>
      %dma_start3A_14 = tpu.memref_slice %arg10[%mul3A_2] : memref<102400xf32, #tpu.memory_space<vmem_shared>> -> memref<6400xf32, #tpu.memory_space<vmem_shared>>
      tpu.enqueue_dma source(%dma_start3A_14 : memref<6400xf32, #tpu.memory_space<vmem_shared>>) target(%dma_start3A : memref<6400xf32, #tpu.memory_space<hbm>>) target_semaphore(%run_scoped3A : memref<!tpu.dma_semaphore, #tpu.memory_space<semaphore_mem>>)
      %dma_wait3A = tpu.memref_slice %arg9[%add3A_13] : memref<204800xf32, #tpu.memory_space<hbm>> -> memref<6400xf32, #tpu.memory_space<hbm>>
      %dma_wait3A_15 = tpu.memref_slice %arg10[%mul3A_2] : memref<102400xf32, #tpu.memory_space<vmem_shared>> -> memref<6400xf32, #tpu.memory_space<vmem_shared>>
      tpu.wait_dma2 semaphore(%run_scoped3A : memref<!tpu.dma_semaphore, #tpu.memory_space<semaphore_mem>>) src(%dma_wait3A_15 : memref<6400xf32, #tpu.memory_space<vmem_shared>>) dst(%dma_wait3A : memref<6400xf32, #tpu.memory_space<hbm>>)
      tpu.yield
    }) : () -> ()
    return
  }
}

module attributes {stable_mosaic.version = 14 : i64} {
  func.func @_tc_sum(%arg0: memref<2x800x128xf32, #tpu.memory_space<vmem>>, %arg1: memref<800x128xf32, #tpu.memory_space<vmem>>) attributes {dimension_semantics = [], scalar_prefetch = 0 : i64, scratch_operands = 0 : i64, tpu.core_type = #tpu.core_type<tc>} {
    %get3A = arith.constant 0 : index
    %get3A_0 = arith.constant 0 : index
    %get3A_1 = arith.constant 0 : index
    %get3A_2 = vector.load %arg0[%get3A, %get3A_0, %get3A_1] : memref<2x800x128xf32, #tpu.memory_space<vmem>>, vector<1x800x128xf32>
    %get3A_3 = vector.shape_cast %get3A_2 : vector<1x800x128xf32> to vector<800x128xf32>
    %get3A_4 = arith.constant 1 : index
    %get3A_5 = arith.constant 0 : index
    %get3A_6 = arith.constant 0 : index
    %get3A_7 = vector.load %arg0[%get3A_4, %get3A_5, %get3A_6] : memref<2x800x128xf32, #tpu.memory_space<vmem>>, vector<1x800x128xf32>
    %get3A_8 = vector.shape_cast %get3A_7 : vector<1x800x128xf32> to vector<800x128xf32>
    %add3A = arith.addf %get3A_3, %get3A_8 : vector<800x128xf32>
    %swap3A = arith.constant 0 : index
    %swap3A_9 = arith.constant 0 : index
    %swap3A_10 = vector.load %arg1[%swap3A, %swap3A_9] : memref<800x128xf32, #tpu.memory_space<vmem>>, vector<800x128xf32>
    tpu.vector_store %arg1[%swap3A, %swap3A_9], %add3A {strides = array<i32>} : memref<800x128xf32, #tpu.memory_space<vmem>>, vector<800x128xf32>,
    return
  }
}

</mosaic_0001>

<sc_bundles>
// kernel: kernel.4.cloned.1.call-start
scs
__scs_entry_jumppad:
0x0: {  	(pc) =	sbr.rel $0x88, $3  }
0x1: {  	(tag) =	ssettag $0x0;
	lr =	simm.s32 $0x1  }
0x2: {  	[smem:$0x3F9E] =	sst lr;
	_ =	strace $0xD0000000  }
0x3: {  	_ = 	snop  }
0x4: {  	_ = 	snop  }
0x5: {  	_ = 	snop  }
0x6: {  	_ = 	snop  }
0x7: {  	_ = 	snop  }
__scs_overlays_trampoline_lowered:
0x8: {  	[smem:$0x3FAD] =	sst s0  }
0x9: {  	[smem:$0x3FAE] =	sst s1  }
0xa: {  	[smem:$0x3FAF] =	sst s2  }
0xb: {  	[smem:$0x3FB0] =	sst s3  }
0xc: {  	[smem:$0x3FB1] =	sst s4  }
0xd: {  	[smem:$0x3FB2] =	sst s5  }
0xe: {  	[smem:$0x3FB3] =	sst s6  }
0xf: {  	[smem:$0x3FB4] =	sst s7  }
0x10: {  	[smem:$0x3FB5] =	sst s8  }
0x11: {  	[smem:$0x3FB6] =	sst s9;
	s0 =	simm.s32 @!p0 $0x0  }
0x12: {  	s1 =	sld [smem:$0x3F9C];
	s0 =	simm.s32 @p0 $0x1  }
0x13: {  	[smem:$0x3FB7] =	sst s0;
	s0 =	simm.s32 @!p1 $0x0  }
0x14: {  	s2 =	sld [smem:$0x3F9B];
	s0 =	simm.s32 @p1 $0x1  }
0x15: {  	[smem:$0x3FB8] =	sst s0;
	s0 =	simm.s32 @!p2 $0x0  }
0x16: {  	s3 =	sld [smem:$0x3FDB];
	s0 =	simm.s32 @p2 $0x1  }
0x17: {  	s4 =	simm.s32 $0x1BF5;
	[smem:$0x3FBA] =	sst s0  }
0x18: {  	s0 =	sld [smem:$0x3F9D];
	_ =	swait.ge [sflag:s4], $0x0  }
0x19: {  	s7 =	sld [smem:$0x3F9E]  }
0x1a: {  	s8 =	sadd.s32 $0xFFFFE003, lr  }
0x1b: {  	s9 =	sadd.s32 $0xFFFFFEF7, lr;
	s5 =	simm.s32 $0xFFFFFFFF;
	p2 =	slt.u32 s8, $0xFFFFF086  }
0x1c: {  	p1 =	slt.u32 s9, $0xF7A;
	s5 =	simm.s32 @!p2 $0x0  }
0x1d: {  	s5 =	simm.s32 @p1 $0x1;
	p0 =	seq.s32 s7, s2  }
0x1e: {  	s7 =	smul.u32 @!p0 $0xF7A, s2;
	p2 =	seq.s32 @!p0 s5, $0x0  }
0x1f: {  	s9 =	smul.u32 $0xF7A, s1;
	s8 =	simm.s32 @!p0 $0x1BF5;
	p2 =	por !p2, p0  }
0x20: {  	[sflag:s8] =	ssyncset.s32 @!p0 $0xFFFFF086;
	s6 =	sadd.s32 @!p0 s3, s7;
	s7 =	simm.s32 @!p0 $0x108  }
0x21: {  	s3 =	sadd.s32 s3, s9;
	s6 =	sadd.s32 @!p0 $0x88, s6;
	s7 =	simm.s32 @p2 $0x1082  }
0x22: {  	[simem:s7], [sflag:s8] =	dma.local @!p0 [hbm:s6], $0xF7A  }
0x23: {  	s9 =	sor.u32 $0xD0000000, s2;
	s6 =	simm.s32 $0x108;
	_ =	swait.ge @!p0 [sflag:s8], $0x0  }
0x24: {  	s3 =	sadd.s32 $0x88, s3;
	s6 =	simm.s32 @!p1 $0x1082;
	[sflag:s4] =	ssyncset.s32 $0xFFFFF086  }
0x25: {  	[simem:s6], [sflag:s4] =	dma.local [hbm:s3], $0xF7A  }
0x26: {  	[smem:$0x3F9E] =	sst s1;
	(tag) =	ssettag s2;
	_ =	strace s9  }
0x27: {  	s1 =	sld [smem:$0x3FAE]  }
0x28: {  	s2 =	sld [smem:$0x3FAF]  }
0x29: {  	s4 =	sld [smem:$0x3FB1]  }
0x2a: {  	p0 =	seq.s32 s5, $0x0;
	s5 =	sld [smem:$0x3FB2]  }
0x2b: {  	s6 =	sld [smem:$0x3FB3]  }
0x2c: {  	s7 =	sld [smem:$0x3FB4]  }
0x2d: {  	s3 =	simm.s32 $0x108;
	s8 =	sld [smem:$0x3FB5]  }
0x2e: {  	s3 =	simm.s32 @!p0 $0x1082;
	s9 =	sld [smem:$0x3FB6]  }
0x2f: {  	lr =	sadd.s32 s0, s3;
	s0 =	sld [smem:$0x3FAD]  }
0x30: {  	s3 =	sld [smem:$0x3FB0]  }
0x31: {  	[smem:$0x3FB9] =	sst s10  }
0x32: {  	s10 =	sld [smem:$0x3FB7];
	_ =	sdelay $0x3  }
0x33: {  	p0 =	seq.s32 s10, $0x1;
	s10 =	sld [smem:$0x3FB9];
	_ =	sdelay $0x3  }
0x34: {  	[smem:$0x3FB9] =	sst s10  }
0x35: {  	s10 =	sld [smem:$0x3FB8];
	_ =	sdelay $0x3  }
0x36: {  	p1 =	seq.s32 s10, $0x1;
	s10 =	sld [smem:$0x3FB9];
	_ =	sdelay $0x3  }
0x37: {  	[smem:$0x3FB9] =	sst s10  }
0x38: {  	s10 =	sld [smem:$0x3FBA]  }
0x39: {  	_ = 	snop;
	(pc) =	sbr.ind lr, $3  }
0x3a: {  	_ = 	snop  }
0x3b: {  	_ = 	snop  }
0x3c: {  	p2 =	seq.s32 s10, $0x1;
	s10 =	sld [smem:$0x3FB9]  }
0x3d: {  	_ =	shalt  }
0x3e: {  	_ =	shalt  }
0x3f: {  	_ =	shalt  }
0x40: {  	_ =	shalt  }
0x41: {  	_ =	shalt  }
0x42: {  	_ =	shalt  }
0x43: {  	_ =	shalt  }
0x44: {  	_ =	shalt  }
0x45: {  	_ =	shalt  }
0x46: {  	_ =	shalt  }
0x47: {  	_ =	shalt  }
0x48: {  	_ =	shalt  }
0x49: {  	_ =	shalt  }
0x4a: {  	_ =	shalt  }
0x4b: {  	_ =	shalt  }
0x4c: {  	_ =	shalt  }
0x4d: {  	_ =	shalt  }
0x4e: {  	_ =	shalt  }
0x4f: {  	_ =	shalt  }
0x50: {  	_ =	shalt  }
0x51: {  	_ =	shalt  }
0x52: {  	_ =	shalt  }
0x53: {  	_ =	shalt  }
0x54: {  	_ =	shalt  }
0x55: {  	_ =	shalt  }
0x56: {  	_ =	shalt  }
0x57: {  	_ =	shalt  }
0x58: {  	_ =	shalt  }
0x59: {  	_ =	shalt  }
0x5a: {  	_ =	shalt  }
0x5b: {  	_ =	shalt  }
0x5c: {  	_ =	shalt  }
0x5d: {  	_ =	shalt  }
0x5e: {  	_ =	shalt  }
0x5f: {  	_ =	shalt  }
0x60: {  	_ =	shalt  }
0x61: {  	_ =	shalt  }
0x62: {  	_ =	shalt  }
0x63: {  	_ =	shalt  }
0x64: {  	_ =	shalt  }
0x65: {  	_ =	shalt  }
0x66: {  	_ =	shalt  }
0x67: {  	_ =	shalt  }
0x68: {  	_ =	shalt  }
0x69: {  	_ =	shalt  }
0x6a: {  	_ =	shalt  }
0x6b: {  	_ =	shalt  }
0x6c: {  	_ =	shalt  }
0x6d: {  	_ =	shalt  }
0x6e: {  	_ =	shalt  }
0x6f: {  	_ =	shalt  }
0x70: {  	_ =	shalt  }
0x71: {  	_ =	shalt  }
0x72: {  	_ =	shalt  }
0x73: {  	_ =	shalt  }
0x74: {  	_ =	shalt  }
0x75: {  	_ =	shalt  }
0x76: {  	_ =	shalt  }
0x77: {  	_ =	shalt  }
0x78: {  	_ =	shalt  }
0x79: {  	_ =	shalt  }
0x7a: {  	_ =	shalt  }
0x7b: {  	_ =	shalt  }
0x7c: {  	_ =	shalt  }
0x7d: {  	_ =	shalt  }
0x7e: {  	_ =	shalt  }
0x7f: {  	_ =	shalt  }
0x80: {  	_ =	shalt  }
0x81: {  	_ =	shalt  }
0x82: {  	_ =	shalt  }
0x83: {  	_ =	shalt  }
0x84: {  	_ =	shalt  }
0x85: {  	_ =	shalt  }
0x86: {  	_ =	shalt  }
0x87: {  	_ =	shalt  }
.Lfunc_end0:
.L_simem_size_0:
called_computation_lowered:
.L_overlay_start_0:
0x88: {  	s2 =	sld [smem:$0x3FD9]  }
0x89: {  	s3 =	sld [smem:$0x3FFE];
	_ =	sdelay $0x1  }
0x8a: {  	s1 =	srdreg.scid  }
0x8b: {  	s0 =	sand.u32 $0x1, s1  }
0x8c: {  	s16 =	sshll.u32 s0, $0xA;
	s2 =	sadd.s32 s3, s2  }
0x8d: {  	s2 =	sadd.s32 s2, s16  }
0x8e: {  	[smem:$0x3FC5] =	sst s2  }
0x8f: {  	_ = 	snop  }
0x90: {  	(tm) =	ssettm $0x1  }
0x91: {  	s17 =	sld [smem:$0x3FFB];
	_ =	sdelay $0x3  }
0x92: {  	_ =	strace s17  }
0x93: {  	s2 =	sld [smem:$0x3FFC];
	_ =	sdelay $0x3  }
0x94: {  	_ =	strace s2  }
0x95: {  	s2 =	sld [smem:$0x3FFD];
	_ =	sdelay $0x3  }
0x96: {  	_ =	strace s2  }
0x97: {  	_ =	strace $0x8FFFFFFF  }
0x98: {  	s18 =	sld [smem:$0x3FDB];
	_ =	sdelay $0x1  }
0x99: {  	s19 =	simm.s32 $_scs_section_size  }
0x9a: {  	s4 =	simm.s32 $_size__tile_overlayer_lowered;
	s5 =	simm.s32 $_tile_overlayer_lowered  }
0x9b: {  	s22 =	simm.s32 $0x1BFF;
	s21 =	sshll.u32 s5, $0x1;
	s2 =	sadd.s32 s19, s18  }
0x9c: {  	s6 =	simm.s32 $0x0;
	s20 =	sshll.u32 s4, $0x1;
	s4 =	sadd.s32 s21, s2  }
0x9d: {  	[timem:s6], [sflag:s22] =	dma.local [hbm:s4], s20  }
0x9e: {  	_ =	swait.ge [sflag:s22], s20  }
0x9f: {  	s3 =	ssub.s32 $0x0, s20;
	[sflag:s22] =	ssyncset.done $0x0  }
0xa0: {  	[sflag:s22] =	ssyncadd.s32 s3;
	_ =	sdelay $0x1  }
0xa1: {  	s23 =	simm.s32 $0x1B8B  }
0xa2: {  	_ =	swait.ge [sflag:s23], $0x1  }
0xa3: {  	[sflag:s23] =	ssyncset.done $0x0  }
0xa4: {  	s25 =	simm.s32 $0x1B8E;
	s24 =	sld [smem:$0x3FFE];
	[sflag:s23] =	ssyncadd.s32 $0xFFFFFFFF  }
0xa5: {  	s26 =	simm.s32 $execute0_lowered;
	[smem:$0x3FD2] =	sst s25  }
0xa6: {  	s4 =	sshll.u32 s26, $0x1;
	_ =	strace $0x80000046;
	[dreg:$0x1] =	wrdreg $0xFFFFFFFF  }
0xa7: {  	s28 =	simm.s32 $_size_execute0_lowered;
	s2 =	sadd.s32 s2, s4;
	[dreg:$0x0] =	wrdreg $0x0  }
0xa8: {  	s4 =	sshll.u32 s28, $0x1;
	[dreg:$0x2] =	wrdreg s2  }
0xa9: {  	[dreg:$0x3] =	wrdreg s4  }
0xaa: {  	[dreg:$0x4] =	wrdreg $0xC0  }
0xab: {  	_ =	task [dreg:s6], $0x5FFFF  }
0xac: {  	[dreg:$0x1] =	wrdreg $0xFFFFFFFF  }
0xad: {  	[dreg:$0x0] =	wrdreg $0x60  }
0xae: {  	[dreg:$0x2] =	wrdreg s24  }
0xaf: {  	[dreg:$0x3] =	wrdreg $0x83000  }
0xb0: {  	[dreg:$0x4] =	wrdreg $0x9C000  }
0xb1: {  	[dreg:$0x5] =	wrdreg $0x68800  }
0xb2: {  	[dreg:$0x6] =	wrdreg $0x0  }
0xb3: {  	[dreg:$0x7] =	wrdreg $0x9  }
0xb4: {  	_ =	task.clear_ibuf [dreg:s6], $0x8FFFF;
	_ =	strace $0x90000046  }
0xb5: {  	s29 =	simm.s32 $0x9;
	_ =	strace $0x80000048  }
0xb6: {  	_ =	swait.ge [sflag:s29], $0x1  }
0xb7: {  	[sflag:s29] =	ssyncadd.s32 $0xFFFFFFFF  }
0xb8: {  	_ =	strace $0x90000048  }
0xb9: {  	_ =	sfence  }
0xba: {  	s30 =	sld [smem:$0x0];
	_ =	sdelay $0x2  }
0xbb: {  	s31 =	sshll.u32 s1, $0xD;
	s1 =	sshrl.u32 s1, $0x2  }
0xbc: {  	s3 =	sand.u32 $0x4000, s31;
	s1 =	sadd.s32 s1, s30  }
0xbd: {  	s0 =	sor.u32 s3, s0;
	s1 =	sshll.u32 s1, $0x11  }
0xbe: {  	s0 =	sor.u32 s1, s0  }
0xbf: {  	s0 =	sadd.s32 $0x8F2B, s0  }
0xc0: {  	[sflag:s0] =	ssyncadd.remote.s32 $0x1  }
0xc1: {  	_ =	sfence.sel $0xFFFF  }
0xc2: {  	[dreg:$0x0] =	wrdreg $0xFFFFFFFF;
	(pc) =	sbr.abs _section_cstart, $3  }
0xc3: {  	[dreg:$0x1] =	wrdreg $0xFFFFFFFF  }
0xc4: {  	_ =	task.clear_ibuf [dreg:s6], $0x2FFFF;
	_ =	strace $0x9FFFFFFF  }
0xc5: {  	(tm) =	ssettm $0x7FFFFFFF  }
tec
execute0_lowered:
.L_overlay_start_1:
0x0: {  	(tag) =	ssettag $0x1  }
0x1: {  	s1 =	rddreg [dreg:$0x0]  }
0x2: {  	s0 =	rddreg [dreg:$0x1]  }
0x3: {  	s3 =	rddreg [dreg:$0x2]  }
0x4: {  	s4 =	rddreg [dreg:$0x3];
	s2 =	srdreg.scid  }
0x5: {  	s5 =	rddreg [dreg:$0x4];
	s12 =	stileid.u32;
	s6 =	simm.s32 $0x0  }
0x6: {  	s28 =	simm.s32 $0x1A80;
	s29 =	simm.s32 $0x4F00;
	s30 =	simm.s32 $0x1B00  }
0x7: {  	s31 =	simm.s32 $0x6800;
	s15 =	simm.s32 $0x0;
	s2 =	sand.u32 $0x1, s2  }
0x8: {  	s8 =	smul.u32 $0x1900, s12;
	[smem:$0x7FF] =	sst s6;
	s19 =	sshll.u32 s12, $0x6  }
0x9: {  	s7 =	sshll.u32 s2, $0x4;
	s9 =	smul.u32 $0x19000, s2;
	s2 =	ssub.s32 $0x2, s2  }
0xa: {  	_ =	strace $0x80000047;
	s7 =	sor.u32 s12, s7;
	s17 =	sshrl.u32 s2, $0x1  }
0xb: {  	s18 =	sshrl.u32 s8, $0x3;
	s20 =	sadd.s32 s8, s0;
	s21 =	sadd.s32 s8, s3  }
0xc: {  	s22 =	sadd.s32 s8, s4;
	s12 =	simm.s32 $0x8180;
	s7 =	smul.u32 $0x310, s7  }
0xd: {  	s9 =	sadd.s32 s8, s9;
	s2 =	ssub.s32 s2, s17;
	s8 =	sadd.s32 s8, s5  }
0xe: {  	s26 =	sshrl.u32 s20, $0x3;
	s20 =	sshrl.u32 s22, $0x3;
	s2 =	smax.u32 s2, $0x1  }
0xf: {  	[dreg:$0xe] =	wrdreg s26;
	s10 =	sadd.s32 s7, s1;
	s7 =	sadd.s32 s1, s18  }
0x10: {  	s16 =	sshrl.u32 s9, $0x3;
	[dreg:$0xd] =	wrdreg s2;
	s9 =	sadd.s32 $0x6400, s7  }
0x11: {  	s22 =	simm.s32 $0x1C80;
	s13 =	sadd.s32 $0x3200, s7;
	[dreg:$0x6] =	wrdreg s9  }
0x12: {  	s26 =	simm.s32 $0x3600;
	s14 =	sadd.s32 $0x1BC00, s7;
	[dreg:$0x7] =	wrdreg s13  }
0x13: {  	s11 =	sadd.s32 s16, s1;
	s23 =	sadd.s32 $0x15A00, s10;
	[dreg:$0x8] =	wrdreg s14  }
0x14: {  	s18 =	simm.s32 $0x2;
	s24 =	sadd.s32 $0xF800, s10;
	[dreg:$0x9] =	wrdreg s23  }
0x15: {  	s1 =	simm.s32 $0x1B80;
	s10 =	sadd.s32 $0x9600, s10;
	[dreg:$0xa] =	wrdreg s24  }
0x16: {  	s2 =	simm.s32 $0x1C00;
	s25 =	sadd.s32 $0x1EE00, s11;
	[dreg:$0xb] =	wrdreg s10  }
0x17: {  	s11 =	simm.s32 $0x1;
	s9 =	sor.u32 $0x1C02, s19;
	[dreg:$0xc] =	wrdreg s25  }
0x18: {  	s19 =	sshrl.u32 s21, $0x3;
	s21 =	sshrl.u32 s8, $0x3;
	s25 =	simm.s32 $0x80  }
0x19: {  	s23 =	simm.s32 $0x1D00;
	s24 =	simm.s32 $0x1900;
	s8 =	simm.s32 $0x1980  }
0x1a: {  	s10 =	simm.s32 $0x1A00;
	s13 =	simm.s32 $0x8200;
	s14 =	simm.s32 $0x8280  }
.LBB2_1:
0x1b: {  	s16 =	rddreg [dreg:$0x6]  }
0x1c: {  	s17 =	rddreg [dreg:$0xe]  }
0x1d: {  	[spmem:s17], [sflag:s9] =	dma.local [hbm:s16], $0x320  }
0x1e: {  	_ =	swait.ge [sflag:s18], $0x320  }
0x1f: {  	[sflag:s18] =	ssyncset.done $0x0  }
0x20: {  	s17 =	rddreg [dreg:$0x7];
	[sflag:s18] =	ssyncadd.s32 $0xFFFFFCE0  }
0x21: {  	[spmem:s19], [sflag:s9] =	dma.local [hbm:s17], $0x320  }
0x22: {  	_ =	swait.ge [sflag:s18], $0x320  }
0x23: {  	[sflag:s18] =	ssyncset.done $0x0  }
0x24: {  	[sflag:s18] =	ssyncadd.s32 $0xFFFFFCE0  }
0x25: {  	[spmem:s20], [sflag:s9] =	dma.local [hbm:s7], $0x320  }
0x26: {  	_ =	swait.ge [sflag:s18], $0x320  }
0x27: {  	[sflag:s18] =	ssyncset.done $0x0  }
0x28: {  	s17 =	rddreg [dreg:$0x8];
	[sflag:s18] =	ssyncadd.s32 $0xFFFFFCE0  }
0x29: {  	[spmem:s21], [sflag:s9] =	dma.local [hbm:s17], $0x320  }
0x2a: {  	_ =	swait.ge [sflag:s18], $0x320  }
0x2b: {  	[sflag:s18] =	ssyncset.done $0x0  }
0x2c: {  	s17 =	simm.s32 $0x1D80;
	s16 =	rddreg [dreg:$0x9];
	[sflag:s18] =	ssyncadd.s32 $0xFFFFFCE0  }
0x2d: {  	[tilespmem:s17], [sflag:$0x2] =	stream.linear.gather [hbm4b:s16+s6], $0x1880, $0x38;
	[tilespmem:$0xB500] =	vst v63  }
0x2e: {  	_ =	swait.ge [sflag:s18], $0x1880  }
0x2f: {  	[sflag:s18] =	ssyncset.done $0x0  }
0x30: {  	s17 =	simm.s32 $0x3680;
	s16 =	rddreg [dreg:$0xa];
	[sflag:s18] =	ssyncadd.s32 $0xFFFFE780  }
0x31: {  	[tilespmem:s17], [sflag:$0x2] =	stream.linear.gather [hbm4b:s16+s6], $0x1880, $0x38;
	[tilespmem:$0xB500] =	vst v63  }
0x32: {  	_ =	swait.ge [sflag:s18], $0x1880  }
0x33: {  	[sflag:s18] =	ssyncset.done $0x0  }
0x34: {  	s17 =	simm.s32 $0x4F80;
	s16 =	rddreg [dreg:$0xb];
	[sflag:s18] =	ssyncadd.s32 $0xFFFFE780  }
0x35: {  	[tilespmem:s17], [sflag:$0x2] =	stream.linear.gather [hbm4b:s16+s6], $0x1880, $0x38;
	[tilespmem:$0xB500] =	vst v63  }
0x36: {  	_ =	swait.ge [sflag:s18], $0x1880  }
0x37: {  	[sflag:s18] =	ssyncset.done $0x0  }
0x38: {  	[sflag:s18] =	ssyncadd.s32 $0xFFFFE780  }
0x39: {  	s16 =	simm.s32 $0x0;
	[bflag:$0x0] =	sbarrier.arrive $0xFFFF  }
.LBB2_2:
0x3a: {  	s17 =	sshra.s32 s16, $0x2  }
0x3b: {  	v0 =	vld [tilespmem:s17+$0x1D80];
	_ =	sdelay $0x4  }
0x3c: {  	[tilespmem:$0x3600] =	vst v0  }
0x3d: {  	v0 =	vld [tilespmem:s17+$0x3680];
	_ =	sdelay $0x4  }
0x3e: {  	[tilespmem:$0x4F00] =	vst v0  }
0x3f: {  	v0 =	vld [tilespmem:s17+$0x4F80];
	_ =	sdelay $0x4  }
0x40: {  	[tilespmem:$0x6800] =	vst v0  }
0x41: {  	v0 =	vld [tilespmem:s17+$0x1D90];
	_ =	sdelay $0x4  }
0x42: {  	[tilespmem:$0x3610] =	vst v0  }
0x43: {  	v0 =	vld [tilespmem:s17+$0x3690];
	_ =	sdelay $0x4  }
0x44: {  	[tilespmem:$0x4F10] =	vst v0  }
0x45: {  	v0 =	vld [tilespmem:s17+$0x4F90];
	_ =	sdelay $0x4  }
0x46: {  	[tilespmem:$0x6810] =	vst v0  }
0x47: {  	v0 =	vld [tilespmem:s17+$0x1DA0];
	_ =	sdelay $0x4  }
0x48: {  	[tilespmem:$0x3620] =	vst v0  }
0x49: {  	v0 =	vld [tilespmem:s17+$0x36A0];
	_ =	sdelay $0x4  }
0x4a: {  	[tilespmem:$0x4F20] =	vst v0  }
0x4b: {  	v0 =	vld [tilespmem:s17+$0x4FA0];
	_ =	sdelay $0x4  }
0x4c: {  	[tilespmem:$0x6820] =	vst v0  }
0x4d: {  	v0 =	vld [tilespmem:s17+$0x1DB0];
	_ =	sdelay $0x4  }
0x4e: {  	[tilespmem:$0x3630] =	vst v0  }
0x4f: {  	v0 =	vld [tilespmem:s17+$0x36B0];
	_ =	sdelay $0x4  }
0x50: {  	[tilespmem:$0x4F30] =	vst v0  }
0x51: {  	v0 =	vld [tilespmem:s17+$0x4FB0];
	_ =	sdelay $0x4  }
0x52: {  	[tilespmem:$0x6830] =	vst v0  }
0x53: {  	v0 =	vld [tilespmem:s17+$0x1DC0];
	_ =	sdelay $0x4  }
0x54: {  	[tilespmem:$0x3640] =	vst v0  }
0x55: {  	v0 =	vld [tilespmem:s17+$0x36C0];
	_ =	sdelay $0x4  }
0x56: {  	[tilespmem:$0x4F40] =	vst v0  }
0x57: {  	v0 =	vld [tilespmem:s17+$0x4FC0];
	_ =	sdelay $0x4  }
0x58: {  	[tilespmem:$0x6840] =	vst v0  }
0x59: {  	v0 =	vld [tilespmem:s17+$0x1DD0];
	_ =	sdelay $0x4  }
0x5a: {  	[tilespmem:$0x3650] =	vst v0  }
0x5b: {  	v0 =	vld [tilespmem:s17+$0x36D0];
	_ =	sdelay $0x4  }
0x5c: {  	[tilespmem:$0x4F50] =	vst v0  }
0x5d: {  	v0 =	vld [tilespmem:s17+$0x4FD0];
	_ =	sdelay $0x4  }
0x5e: {  	[tilespmem:$0x6850] =	vst v0  }
0x5f: {  	v0 =	vld [tilespmem:s17+$0x1DE0];
	_ =	sdelay $0x4  }
0x60: {  	[tilespmem:$0x3660] =	vst v0  }
0x61: {  	v0 =	vld [tilespmem:s17+$0x36E0];
	_ =	sdelay $0x4  }
0x62: {  	[tilespmem:$0x4F60] =	vst v0  }
0x63: {  	v0 =	vld [tilespmem:s17+$0x4FE0];
	_ =	sdelay $0x4  }
0x64: {  	[tilespmem:$0x6860] =	vst v0  }
0x65: {  	v0 =	vld [tilespmem:s17+$0x1DF0];
	_ =	sdelay $0x4  }
0x66: {  	[tilespmem:$0x3670] =	vst v0  }
0x67: {  	v0 =	vld [tilespmem:s17+$0x36F0];
	_ =	sdelay $0x4  }
0x68: {  	[tilespmem:$0x4F70] =	vst v0  }
0x69: {  	v0 =	vld [tilespmem:s17+$0x4FF0];
	_ =	sdelay $0x4  }
0x6a: {  	[tilespmem:$0x6870] =	vst v0  }
0x6b: {  	[tilespmem:s28], [sflag:$0x1] =	stream.indirect.gather [spmem:s0], $0x1, s26, s25, $0xb8;
	[tilespmem:$0xB500] =	vst v63  }
0x6c: {  	_ = 	snop  }
0x6d: {  	[tilespmem:s30], [sflag:$0x1] =	stream.indirect.gather [spmem:s0], $0x1, s29, s25, $0xb8;
	[tilespmem:$0xB500] =	vst v63  }
0x6e: {  	_ = 	snop  }
0x6f: {  	[tilespmem:s1], [sflag:$0x1] =	stream.indirect.gather [spmem:s0], $0x1, s31, s25, $0xb8;
	[tilespmem:$0xB500] =	vst v63  }
0x70: {  	_ = 	snop  }
0x71: {  	[tilespmem:s2], [sflag:$0x1] =	stream.indirect.gather [spmem:s3], $0x1, s26, s25, $0xb8;
	[tilespmem:$0xB500] =	vst v63  }
0x72: {  	_ = 	snop  }
0x73: {  	[tilespmem:s22], [sflag:$0x1] =	stream.indirect.gather [spmem:s3], $0x1, s29, s25, $0xb8;
	[tilespmem:$0xB500] =	vst v63  }
0x74: {  	_ = 	snop  }
0x75: {  	[tilespmem:s23], [sflag:$0x1] =	stream.indirect.gather [spmem:s3], $0x1, s31, s25, $0xb8;
	[tilespmem:$0xB500] =	vst v63  }
0x76: {  	_ = 	snop  }
0x77: {  	[tilespmem:s24], [sflag:$0x1] =	stream.indirect.gather [spmem:s4], $0x1, s26, s25, $0xb8;
	[tilespmem:$0xB500] =	vst v63  }
0x78: {  	_ = 	snop  }
0x79: {  	[tilespmem:s8], [sflag:$0x1] =	stream.indirect.gather [spmem:s4], $0x1, s29, s25, $0xb8;
	[tilespmem:$0xB500] =	vst v63  }
0x7a: {  	_ = 	snop  }
0x7b: {  	[tilespmem:s10], [sflag:$0x1] =	stream.indirect.gather [spmem:s4], $0x1, s31, s25, $0xb8;
	[tilespmem:$0xB500] =	vst v63  }
0x7c: {  	_ =	swait.ge [sflag:s11], $0x80  }
0x7d: {  	[sflag:s11] =	ssyncset.done $0x0  }
0x7e: {  	[sflag:s11] =	ssyncadd.s32 $0xFFFFFF80  }
0x7f: {  	_ =	swait.ge [sflag:s11], $0x80  }
0x80: {  	[sflag:s11] =	ssyncset.done $0x0  }
0x81: {  	[sflag:s11] =	ssyncadd.s32 $0xFFFFFF80  }
0x82: {  	_ =	swait.ge [sflag:s11], $0x80  }
0x83: {  	[sflag:s11] =	ssyncset.done $0x0  }
0x84: {  	[sflag:s11] =	ssyncadd.s32 $0xFFFFFF80  }
0x85: {  	_ =	swait.ge [sflag:s11], $0x80  }
0x86: {  	[sflag:s11] =	ssyncset.done $0x0  }
0x87: {  	[sflag:s11] =	ssyncadd.s32 $0xFFFFFF80  }
0x88: {  	_ =	swait.ge [sflag:s11], $0x80  }
0x89: {  	[sflag:s11] =	ssyncset.done $0x0  }
0x8a: {  	[sflag:s11] =	ssyncadd.s32 $0xFFFFFF80  }
0x8b: {  	_ =	swait.ge [sflag:s11], $0x80  }
0x8c: {  	[sflag:s11] =	ssyncset.done $0x0  }
0x8d: {  	[sflag:s11] =	ssyncadd.s32 $0xFFFFFF80  }
0x8e: {  	_ =	swait.ge [sflag:s11], $0x80  }
0x8f: {  	[sflag:s11] =	ssyncset.done $0x0  }
0x90: {  	[sflag:s11] =	ssyncadd.s32 $0xFFFFFF80  }
0x91: {  	_ =	swait.ge [sflag:s11], $0x80  }
0x92: {  	[sflag:s11] =	ssyncset.done $0x0  }
0x93: {  	[sflag:s11] =	ssyncadd.s32 $0xFFFFFF80  }
0x94: {  	_ =	swait.ge [sflag:s11], $0x80  }
0x95: {  	[sflag:s11] =	ssyncset.done $0x0  }
0x96: {  	[sflag:s11] =	ssyncadd.s32 $0xFFFFFF80  }
0x97: {  	v61 =	vld [tilespmem:$0x1A80]  }
0x98: {  	v1 =	vld [tilespmem:$0x1B00]  }
0x99: {  	v2 =	vld [tilespmem:$0x1B80]  }
0x9a: {  	v3 =	vld [tilespmem:$0x1C80]  }
0x9b: {  	v4 =	vld [tilespmem:$0x1D00]  }
0x9c: {  	v5 =	vld [tilespmem:$0x1C00]  }
0x9d: {  	v62 =	vld [tilespmem:$0x1A90]  }
0x9e: {  	v63 =	vld [tilespmem:$0x1B10]  }
0x9f: {  	v11 =	vld [tilespmem:$0x1C90]  }
0xa0: {  	v12 =	vld [tilespmem:$0x1D10]  }
0xa1: {  	v10 =	vld [tilespmem:$0x1B90]  }
0xa2: {  	v13 =	vld [tilespmem:$0x1C10]  }
0xa3: {  	v6 =	vsub.f32 v3, v4;
	v7 =	vsub.f32 v2, v1  }
0xa4: {  	v4 =	vsub.f32 v4, v5;
	v2 =	vsub.f32 v61, v2  }
0xa5: {  	v15 =	vsub.f32 v11, v12  }
0xa6: {  	v16 =	vsub.f32 v10, v63;
	v8 =	vmul.f32 v6, v2;
	v9 =	vmul.f32 v4, v7  }
0xa7: {  	v12 =	vsub.f32 v12, v13;
	v10 =	vsub.f32 v62, v10  }
0xa8: {  	v3 =	vsub.f32 v5, v3;
	v17 =	vmul.f32 v6, v6;
	v8 =	vsub.f32 v8, v9  }
0xa9: {  	v0 =	vsub.f32 v1, v61;
	v30 =	vmul.f32 v7, v7;
	v18 =	vmul.f32 v4, v4  }
0xaa: {  	v31 =	vmul.f32 v15, v10;
	v19 =	vmul.f32 v12, v16;
	v8 =	vand.u32 $0x7FFFFFFF, v8  }
0xab: {  	v32 =	vmul.f32 v2, v2;
	(erf) = vrcp.f32 v8  }
0xac: {  	v21 =	vmul.f32 v3, v3;
	v23 =	vmul.f32 v0, v0  }
0xad: {  	v41 =	vld [tilespmem:$0x1D20];
	v24 =	vmul.f32 v4, v6;
	v34 =	vmul.f32 v2, v7  }
0xae: {  	v42 =	vld [tilespmem:$0x1C20];
	v4 =	vmul.f32 v4, v3;
	v3 =	vmul.f32 v6, v3  }
0xaf: {  	v35 =	vmul.f32 v7, v0;
	v0 =	vmul.f32 v2, v0  }
0xb0: {  	v20 =	vld [tilespmem:$0x1900];
	v11 =	vsub.f32 v13, v11;
	v46 =	vmul.f32 v15, v15;
	v48 =	vmul.f32 v16, v16  }
0xb1: {  	v22 =	vld [tilespmem:$0x1980];
	v28 =	vmul.f32 v12, v12;
	v5 =	vadd.f32 v17, v30;
	v1 =	vsub.f32 v31, v19  }
0xb2: {  	v33 =	vld [tilespmem:$0x1A00];
	v29 =	vmul.f32 v10, v10;
	v17 =	vadd.f32 v18, v32;
	v21 =	vadd.f32 v21, v23  }
0xb3: {  	v38 =	vld [tilespmem:$0x1BA0];
	v37 =	vadd.f32 v24, v34;
	v19 =	vsub.f32 v41, v42;
	v30 =	vmul.f32 v11, v11  }
0xb4: {  	v55 =	vld [tilespmem:$0x1D30];
	v31 =	vmul.f32 v12, v15;
	v15 =	vmul.f32 v15, v11;
	v8 =	vsub.f32 v63, v62;
	v14 =	vpop (erf)  }
0xb5: {  	v59 =	vld [tilespmem:$0x1C30];
	v3 =	vadd.f32 v3, v35;
	v11 =	vmul.f32 v12, v11;
	v14 =	vmul.f32 $5.000000000e-01, v14  }
0xb6: {  	v40 =	vld [tilespmem:$0x1CA0];
	v1 =	vand.u32 $0x7FFFFFFF, v1;
	v63 =	vmul.f32 v19, v19;
	v50 =	vmul.f32 v8, v8  }
0xb7: {  	v7 =	vld [tilespmem:$0x1AA0];
	v0 =	vadd.f32 v4, v0;
	(erf) = vrcp.f32 v1;
	v36 =	vmul.f32 v14, v5  }
0xb8: {  	v9 =	vadd.f32 v46, v48;
	v17 =	vmul.f32 v14, v17;
	v39 =	vmul.f32 v14, v21  }
0xb9: {  	v28 =	vadd.f32 v28, v29;
	v5 =	vmul.f32 v14, v37;
	v3 =	vmul.f32 v14, v3  }
0xba: {  	v29 =	vsub.f32 v55, v59;
	v1 =	vld [tilespmem:$0x1B20];
	v0 =	vmul.f32 v14, v0;
	v2 =	vmul.f32 v36, v20  }
0xbb: {  	v4 =	vsub.f32 v42, v40;
	v43 =	vmul.f32 v5, v22;
	v44 =	vmul.f32 v3, v33  }
0xbc: {  	v6 =	vsub.f32 v7, v38;
	v5 =	vmul.f32 v5, v20;
	v17 =	vmul.f32 v17, v22  }
0xbd: {  	v51 =	vadd.f32 v30, v50;
	v25 =	vmul.f32 v0, v33;
	v3 =	vmul.f32 v3, v20  }
0xbe: {  	v20 =	vmul.f32 v0, v22;
	v22 =	vsub.f32 v40, v41;
	v18 =	vmul.f32 v39, v33  }
0xbf: {  	v26 =	vsub.f32 v38, v1;
	v33 =	vmul.f32 v10, v16;
	v16 =	vmul.f32 v16, v8  }
0xc0: {  	v8 =	vmul.f32 v10, v8;
	v1 =	vsub.f32 v1, v7;
	v36 =	vmul.f32 v4, v4  }
0xc1: {  	v47 =	vmul.f32 v22, v6;
	v27 =	vmul.f32 v19, v26;
	v52 =	vadd.f32 v31, v33  }
0xc2: {  	v15 =	vadd.f32 v15, v16;
	v8 =	vadd.f32 v11, v8;
	v61 =	vmul.f32 v22, v22  }
0xc3: {  	v54 =	vld [tilespmem:$0x1BB0];
	v56 =	vadd.f32 v43, v2;
	v62 =	vmul.f32 v26, v26;
	v38 =	vmul.f32 v1, v1  }
0xc4: {  	v10 =	vld [tilespmem:$0x1AB0];
	v5 =	vadd.f32 v17, v5;
	v39 =	vmul.f32 v19, v22;
	v46 =	vmul.f32 v6, v26  }
0xc5: {  	v19 =	vmul.f32 v19, v4;
	v4 =	vmul.f32 v22, v4;
	v3 =	vadd.f32 v20, v3  }
0xc6: {  	v13 =	vsub.f32 v47, v27;
	v14 =	vadd.f32 v61, v62;
	v47 =	vmul.f32 v26, v1  }
0xc7: {  	v49 =	vld [tilespmem:$0x1910];
	v45 =	vpop (erf);
	v36 =	vadd.f32 v36, v38;
	v1 =	vmul.f32 v6, v1;
	v2 =	vadd.f32 v3, v18  }
0xc8: {  	v32 =	vld [tilespmem:$0x1990];
	v61 =	vmul.f32 v29, v29;
	v0 =	vmul.f32 $5.000000000e-01, v45;
	v13 =	vand.u32 $0x7FFFFFFF, v13  }
0xc9: {  	v16 =	vld [tilespmem:$0x1B30];
	v11 =	vsub.f32 v10, v54;
	v4 =	vadd.f32 v4, v47;
	(erf) = vrcp.f32 v13  }
0xca: {  	v34 =	vld [tilespmem:$0x1A10];
	v19 =	vadd.f32 v19, v1;
	v9 =	vmul.f32 v0, v9;
	v53 =	vmul.f32 v0, v28  }
0xcb: {  	v1 =	vadd.f32 v5, v25;
	v13 =	vmul.f32 v0, v51;
	v12 =	vmul.f32 v0, v52  }
0xcc: {  	v2 =	vsub.f32 $0.0e+00, v2;
	v15 =	vmul.f32 v0, v15;
	v28 =	vld [tilespmem:$0x1CB0];
	v8 =	vmul.f32 v0, v8  }
0xcd: {  	v50 =	vld [tilespmem:$0x1BC0];
	v0 =	vadd.f32 v56, v44;
	v44 =	vmul.f32 v6, v6;
	v62 =	vmul.f32 v11, v11  }
0xce: {  	v26 =	vld [tilespmem:$0x1AC0];
	v31 =	vsub.f32 v54, v16;
	v9 =	vmul.f32 v9, v49;
	v57 =	vmul.f32 v12, v32  }
0xcf: {  	v10 =	vsub.f32 v16, v10;
	v58 =	vmul.f32 v15, v34;
	v12 =	vmul.f32 v12, v49  }
0xd0: {  	v1 =	vsub.f32 $0.0e+00, v1;
	v21 =	vmul.f32 v53, v32;
	v24 =	vmul.f32 v8, v34  }
0xd1: {  	v15 =	vmul.f32 v15, v49;
	v8 =	vmul.f32 v8, v32;
	v27 =	vsub.f32 v28, v55  }
0xd2: {  	v13 =	vmul.f32 v13, v34;
	v43 =	vmul.f32 v29, v31;
	v32 =	vadd.f32 v63, v44  }
0xd3: {  	v49 =	vadd.f32 v39, v46;
	v22 =	vsub.f32 v26, v50;
	v42 =	vmul.f32 v27, v11  }
0xd4: {  	v44 =	vmul.f32 v10, v10;
	v40 =	vmul.f32 v11, v31;
	v28 =	vsub.f32 v59, v28  }
0xd5: {  	v35 =	vld [tilespmem:$0x1920];
	v9 =	vadd.f32 v57, v9;
	v57 =	vmul.f32 v27, v27;
	v7 =	vsub.f32 v42, v43  }
0xd6: {  	v37 =	vld [tilespmem:$0x19A0];
	v47 =	vadd.f32 v61, v62;
	v63 =	vmul.f32 v28, v28;
	v11 =	vmul.f32 v11, v10;
	v60 =	vpop (erf)  }
0xd7: {  	v45 =	vld [tilespmem:$0x1A20];
	v10 =	vmul.f32 v31, v10;
	v17 =	vmul.f32 $5.000000000e-01, v60;
	v7 =	vand.u32 $0x7FFFFFFF, v7  }
0xd8: {  	v53 =	vld [tilespmem:$0x1D40];
	v0 =	vsub.f32 $0.0e+00, v0;
	v60 =	vmul.f32 v31, v31;
	(erf) = vrcp.f32 v7  }
0xd9: {  	v62 =	vld [tilespmem:$0x1D50];
	v12 =	vadd.f32 v21, v12;
	v48 =	vmul.f32 v17, v14;
	v32 =	vmul.f32 v17, v32  }
0xda: {  	v15 =	vadd.f32 v8, v15;
	v42 =	vld [tilespmem:$0x1C50];
	v51 =	vmul.f32 v17, v36;
	v4 =	vmul.f32 v17, v4  }
0xdb: {  	v3 =	vadd.f32 v9, v58;
	v7 =	vld [tilespmem:$0x1B40];
	v52 =	vmul.f32 v17, v49;
	v17 =	vmul.f32 v17, v19  }
0xdc: {  	v8 =	vadd.f32 v12, v24;
	v36 =	vld [tilespmem:$0x1CC0];
	v6 =	vmul.f32 v48, v35;
	v25 =	vmul.f32 v4, v45  }
0xdd: {  	v3 =	vsub.f32 $0.0e+00, v3;
	v19 =	vld [tilespmem:$0x1C40];
	v18 =	vmul.f32 v32, v37;
	v9 =	vmul.f32 v17, v45  }
0xde: {  	v8 =	vsub.f32 $0.0e+00, v8;
	v33 =	vmul.f32 v51, v45;
	v45 =	vmul.f32 v29, v27  }
0xdf: {  	v23 =	vmul.f32 v4, v35;
	v29 =	vmul.f32 v29, v28;
	v4 =	vadd.f32 v57, v60  }
0xe0: {  	v17 =	vmul.f32 v17, v37;
	v16 =	vsub.f32 v62, v42;
	v34 =	vadd.f32 v45, v40  }
0xe1: {  	v61 =	vld [tilespmem:$0x1CD0];
	v27 =	vmul.f32 v27, v28;
	v11 =	vadd.f32 v29, v11;
	v32 =	vsub.f32 v36, v53  }
0xe2: {  	v5 =	vmul.f32 v52, v35;
	v35 =	vsub.f32 v50, v7;
	v14 =	vsub.f32 v53, v19  }
0xe3: {  	v54 =	vmul.f32 v52, v37;
	v10 =	vadd.f32 v27, v10;
	v17 =	vadd.f32 v17, v23  }
0xe4: {  	v50 =	vadd.f32 v63, v44;
	v58 =	vmul.f32 v32, v22;
	v59 =	vmul.f32 v14, v35  }
0xe5: {  	v19 =	vsub.f32 v19, v36;
	v63 =	vsub.f32 v7, v26;
	v44 =	vmul.f32 v22, v22  }
0xe6: {  	v36 =	vsub.f32 v61, v62;
	v43 =	vmul.f32 v14, v14;
	v30 =	vsub.f32 v58, v59  }
0xe7: {  	v26 =	vsub.f32 v42, v61;
	v45 =	vmul.f32 v19, v19;
	v23 =	vmul.f32 v35, v63;
	v55 =	vpop (erf)  }
0xe8: {  	v61 =	vmul.f32 v36, v36;
	v56 =	vmul.f32 $5.000000000e-01, v55;
	v30 =	vand.u32 $0x7FFFFFFF, v30  }
0xe9: {  	v41 =	vld [tilespmem:$0x1930];
	v6 =	vadd.f32 v54, v6;
	v55 =	vmul.f32 v32, v32;
	(erf) = vrcp.f32 v30  }
0xea: {  	v46 =	vld [tilespmem:$0x19B0];
	v18 =	vadd.f32 v18, v5;
	v49 =	vmul.f32 v56, v4;
	v30 =	vmul.f32 v56, v47  }
0xeb: {  	v48 =	vld [tilespmem:$0x1A30];
	v5 =	vadd.f32 v6, v25;
	v51 =	vmul.f32 v56, v50;
	v52 =	vmul.f32 v56, v34  }
0xec: {  	v6 =	vadd.f32 v18, v9;
	v11 =	vmul.f32 v56, v11;
	v10 =	vmul.f32 v56, v10  }
0xed: {  	v29 =	vld [tilespmem:$0x1B50];
	v7 =	vadd.f32 v17, v33;
	v56 =	vmul.f32 v35, v35;
	v47 =	vmul.f32 v14, v32  }
0xee: {  	v5 =	vsub.f32 $0.0e+00, v5;
	v59 =	vld [tilespmem:$0x1BD0];
	v14 =	vmul.f32 v14, v19;
	v19 =	vmul.f32 v32, v19  }
0xef: {  	v24 =	vld [tilespmem:$0x1AD0];
	v6 =	vsub.f32 $0.0e+00, v6;
	v53 =	vmul.f32 v49, v41;
	v54 =	vmul.f32 v52, v46  }
0xf0: {  	v17 =	vadd.f32 v43, v44;
	v20 =	vmul.f32 v10, v48;
	v21 =	vmul.f32 v52, v41  }
0xf1: {  	v4 =	vadd.f32 v15, v13;
	v57 =	vmul.f32 v30, v46;
	v18 =	vmul.f32 v11, v48  }
0xf2: {  	v34 =	vmul.f32 v10, v41;
	v25 =	vadd.f32 v55, v56;
	v11 =	vmul.f32 v11, v46  }
0xf3: {  	v12 =	vmul.f32 v51, v48;
	v46 =	vmul.f32 v63, v63;
	v37 =	vsub.f32 v59, v29  }
0xf4: {  	v48 =	vmul.f32 v22, v35;
	v31 =	vsub.f32 v24, v59;
	v19 =	vadd.f32 v19, v23  }
0xf5: {  	v32 =	vld [tilespmem:$0x1B60];
	v22 =	vmul.f32 v22, v63;
	v24 =	vsub.f32 v29, v24;
	v13 =	vadd.f32 v54, v53  }
0xf6: {  	v56 =	vld [tilespmem:$0x1BE0];
	v63 =	vmul.f32 v16, v16;
	v15 =	vadd.f32 v45, v46;
	v28 =	vadd.f32 v47, v48  }
0xf7: {  	v52 =	vmul.f32 v36, v31;
	v53 =	vmul.f32 v16, v37;
	v14 =	vadd.f32 v14, v22  }
0xf8: {  	v21 =	vadd.f32 v57, v21;
	v62 =	vmul.f32 v37, v37;
	v45 =	vmul.f32 v31, v31  }
0xf9: {  	v11 =	vadd.f32 v11, v34;
	v46 =	vmul.f32 v26, v26;
	v47 =	vmul.f32 v24, v24  }
0xfa: {  	v43 =	vmul.f32 v31, v37;
	v37 =	vmul.f32 v37, v24;
	v55 =	vsub.f32 v52, v53  }
0xfb: {  	v50 =	vld [tilespmem:$0x19C0];
	v24 =	vmul.f32 v31, v24;
	v9 =	vadd.f32 v13, v20;
	v38 =	vsub.f32 v56, v32;
	v58 =	vpop (erf)  }
0xfc: {  	v49 =	vld [tilespmem:$0x1940];
	v10 =	vadd.f32 v21, v18;
	v60 =	vmul.f32 $5.000000000e-01, v58;
	v58 =	vand.u32 $0x7FFFFFFF, v55  }
0xfd: {  	v51 =	vld [tilespmem:$0x1A40];
	v30 =	vadd.f32 v63, v45;
	v45 =	vmul.f32 v38, v38;
	(erf) = vrcp.f32 v58  }
0xfe: {  	v22 =	vld [tilespmem:$0x1AE0];
	v27 =	vadd.f32 v61, v62;
	v25 =	vmul.f32 v60, v25;
	v17 =	vmul.f32 v60, v17  }
0xff: {  	v59 =	vld [tilespmem:$0x1D60];
	v35 =	vadd.f32 v46, v47;
	v15 =	vmul.f32 v60, v15;
	v54 =	vmul.f32 v60, v28  }
0x100: {  	v21 =	vld [tilespmem:$0x1C60];
	v11 =	vadd.f32 v11, v12;
	v14 =	vmul.f32 v60, v14;
	v19 =	vmul.f32 v60, v19  }
0x101: {  	v9 =	vsub.f32 $0.0e+00, v9;
	v28 =	vld [tilespmem:$0x1CE0];
	v25 =	vmul.f32 v25, v49;
	v57 =	vmul.f32 v54, v50  }
0x102: {  	v10 =	vsub.f32 $0.0e+00, v10;
	v13 =	vmul.f32 v19, v51;
	v60 =	vmul.f32 v54, v49  }
0x103: {  	v33 =	vsub.f32 v22, v56;
	v17 =	vmul.f32 v17, v50;
	v23 =	vmul.f32 v14, v51  }
0x104: {  	v22 =	vsub.f32 v32, v22;
	v19 =	vmul.f32 v19, v49;
	v14 =	vmul.f32 v14, v50  }
0x105: {  	v20 =	vsub.f32 v59, v21;
	v15 =	vmul.f32 v15, v51;
	v50 =	vmul.f32 v16, v36  }
0x106: {  	v36 =	vmul.f32 v36, v26;
	v16 =	vmul.f32 v16, v26;
	v34 =	vsub.f32 v28, v59  }
0x107: {  	v49 =	vmul.f32 v20, v38;
	v25 =	vadd.f32 v57, v25;
	v39 =	vadd.f32 v50, v43  }
0x108: {  	v55 =	vadd.f32 v36, v37;
	v16 =	vadd.f32 v16, v24;
	v48 =	vmul.f32 v34, v33;
	v42 =	vpop (erf)  }
0x109: {  	v53 =	vld [tilespmem:$0x19D0];
	v60 =	vadd.f32 v17, v60;
	v44 =	vmul.f32 v34, v34;
	v52 =	vmul.f32 $5.000000000e-01, v42  }
0x10a: {  	v51 =	vld [tilespmem:$0x1950];
	v29 =	vsub.f32 v48, v49;
	v48 =	vmul.f32 v20, v20;
	v49 =	vmul.f32 v33, v33  }
0x10b: {  	v54 =	vld [tilespmem:$0x1A50];
	v14 =	vadd.f32 v14, v19;
	v27 =	vmul.f32 v52, v27;
	v56 =	vmul.f32 v52, v30  }
0x10c: {  	v37 =	vld [tilespmem:$0x1CF0];
	v21 =	vsub.f32 v21, v28;
	v57 =	vmul.f32 v52, v35;
	v58 =	vmul.f32 v52, v39  }
0x10d: {  	v50 =	vld [tilespmem:$0x1D70];
	v12 =	vadd.f32 v25, v13;
	v31 =	vmul.f32 v52, v55;
	v16 =	vmul.f32 v52, v16  }
0x10e: {  	v29 =	vand.u32 $0x7FFFFFFF, v29;
	v52 =	vmul.f32 v20, v34;
	v55 =	vmul.f32 v20, v21  }
0x10f: {  	v23 =	vadd.f32 v60, v23;
	(erf) = vrcp.f32 v29;
	v59 =	vmul.f32 v27, v51  }
0x110: {  	v46 =	vld [tilespmem:$0x1BF0];
	v13 =	vadd.f32 v14, v15;
	v61 =	vmul.f32 v58, v53;
	v62 =	vmul.f32 v31, v54  }
0x111: {  	v25 =	vadd.f32 v44, v45;
	v63 =	vmul.f32 v58, v51;
	v29 =	vmul.f32 v31, v51;
	v31 =	vld [tilespmem:$0x1AF0]  }
0x112: {  	v36 =	vsub.f32 v37, v50;
	v27 =	vmul.f32 v16, v54;
	v14 =	vmul.f32 v16, v53;
	v16 =	vld [tilespmem:$0x1B70]  }
0x113: {  	v39 =	vsub.f32 $0.0e+00, v7;
	v43 =	vmul.f32 v56, v53;
	v15 =	vmul.f32 v57, v54;
	v54 =	vld [tilespmem:$0x1C70]  }
0x114: {  	v51 =	vadd.f32 v48, v49;
	v53 =	vmul.f32 v33, v38;
	v56 =	vmul.f32 v33, v22  }
0x115: {  	v17 =	vadd.f32 v61, v59;
	v19 =	vadd.f32 v43, v63  }
0x116: {  	v60 =	vadd.f32 v52, v53;
	v18 =	vadd.f32 v55, v56  }
0x117: {  	v61 =	vmul.f32 v34, v21;
	v63 =	vmul.f32 v38, v22;
	v44 =	vsub.f32 v46, v16  }
0x118: {  	v21 =	vmul.f32 v21, v21;
	v26 =	vsub.f32 v50, v54;
	v30 =	vsub.f32 v31, v46  }
0x119: {  	v22 =	vmul.f32 v22, v22;
	v52 =	vmul.f32 v36, v36;
	v17 =	vadd.f32 v17, v62  }
0x11a: {  	v20 =	vadd.f32 v61, v63;
	v45 =	vmul.f32 v36, v30;
	v46 =	vmul.f32 v26, v44  }
0x11b: {  	v16 =	vsub.f32 v16, v31;
	v53 =	vmul.f32 v44, v44;
	v55 =	vmul.f32 v30, v30;
	v47 =	vpop (erf)  }
0x11c: {  	v59 =	vld [tilespmem:$0x1960];
	v19 =	vadd.f32 v19, v27;
	v61 =	vmul.f32 v26, v36;
	v28 =	vmul.f32 $5.000000000e-01, v47  }
0x11d: {  	v62 =	vld [tilespmem:$0x19E0];
	v42 =	vmul.f32 v30, v16;
	v43 =	vmul.f32 v44, v16;
	v27 =	vsub.f32 v45, v46  }
0x11e: {  	v40 =	vld [tilespmem:$0x1A60];
	v14 =	vadd.f32 v14, v29;
	v57 =	vmul.f32 v28, v25;
	v58 =	vmul.f32 v28, v51  }
0x11f: {  	v33 =	vmul.f32 v28, v60;
	v18 =	vmul.f32 v28, v18;
	v27 =	vand.u32 $0x7FFFFFFF, v27  }
0x120: {  	v14 =	vadd.f32 v14, v15;
	v20 =	vmul.f32 v28, v20;
	(erf) = vrcp.f32 v27  }
0x121: {  	v51 =	vsub.f32 v54, v37;
	v54 =	vmul.f32 v26, v26;
	v24 =	vmul.f32 v57, v59  }
0x122: {  	v21 =	vadd.f32 v21, v22;
	v47 =	vmul.f32 v33, v62;
	v48 =	vmul.f32 v33, v59  }
0x123: {  	[tilespmem:$0x8280] =	vst v2;
	v63 =	vsub.f32 $0.0e+00, v4;
	v25 =	vmul.f32 v58, v62;
	v49 =	vmul.f32 v20, v40  }
0x124: {  	[tilespmem:$0x8200] =	vst v1;
	v56 =	vadd.f32 v52, v53;
	v50 =	vmul.f32 v18, v40;
	v20 =	vmul.f32 v20, v59  }
0x125: {  	[tilespmem:$0x8180] =	vst v0;
	v52 =	vsub.f32 $0.0e+00, v13;
	v18 =	vmul.f32 v18, v62;
	v57 =	vmul.f32 v51, v51  }
0x126: {  	[tilespmem:$0x8190] =	vst v3;
	v53 =	vsub.f32 $0.0e+00, v17;
	v58 =	vmul.f32 v16, v16;
	v35 =	vmul.f32 v26, v51  }
0x127: {  	[tilespmem:$0x8210] =	vst v8;
	v37 =	vmul.f32 v36, v51;
	v51 =	vsub.f32 $0.0e+00, v23;
	v24 =	vadd.f32 v47, v24  }
0x128: {  	[tilespmem:$0x81A0] =	vst v5;
	v62 =	vmul.f32 v30, v44;
	v15 =	vadd.f32 v25, v48;
	v0 =	vadd.f32 v18, v20  }
0x129: {  	[tilespmem:$0x8220] =	vst v6;
	v21 =	vmul.f32 v28, v21;
	v18 =	vadd.f32 v54, v55;
	v31 =	vadd.f32 v57, v58;
	v60 =	vpop (erf)  }
0x12a: {  	[tilespmem:$0x81B0] =	vst v9;
	v59 =	vld [tilespmem:$0x1970];
	v34 =	vadd.f32 v61, v62;
	v44 =	vadd.f32 v35, v42;
	v33 =	vmul.f32 $5.000000000e-01, v60  }
0x12b: {  	v32 =	vld [tilespmem:$0x19F0];
	[tilespmem:$0x8230] =	vst v10;
	v46 =	vmul.f32 v21, v40;
	v3 =	vadd.f32 v37, v43;
	v47 =	vsub.f32 $0.0e+00, v11  }
0x12c: {  	[tilespmem:$0x82A0] =	vst v39;
	v48 =	vsub.f32 $0.0e+00, v12;
	v22 =	vadd.f32 v24, v49;
	v1 =	vmul.f32 v33, v56  }
0x12d: {  	[tilespmem:$0x8290] =	vst v63;
	v15 =	vadd.f32 v15, v50;
	v49 =	vld [tilespmem:$0x1A70];
	v41 =	vmul.f32 v33, v34;
	v50 =	vmul.f32 v33, v18  }
0x12e: {  	[tilespmem:$0x82C0] =	vst v52;
	v54 =	vsub.f32 $0.0e+00, v19;
	v4 =	vmul.f32 v33, v31;
	v5 =	vmul.f32 v33, v44  }
0x12f: {  	[tilespmem:$0x81D0] =	vst v53;
	v55 =	vsub.f32 $0.0e+00, v14;
	v3 =	vmul.f32 v33, v3;
	v1 =	vmul.f32 v1, v59  }
0x130: {  	[tilespmem:$0x8240] =	vst v51;
	v0 =	vadd.f32 v0, v46;
	v45 =	vmul.f32 v41, v32;
	v7 =	vmul.f32 v41, v59  }
0x131: {  	[tilespmem:$0x82B0] =	vst v47;
	v57 =	vsub.f32 $0.0e+00, v15;
	v11 =	vmul.f32 v50, v32;
	v2 =	vmul.f32 v3, v59  }
0x132: {  	[tilespmem:$0x81C0] =	vst v48;
	v3 =	vmul.f32 v3, v49;
	v58 =	vmul.f32 v5, v32;
	v1 =	vadd.f32 v45, v1  }
0x133: {  	[tilespmem:$0x8250] =	vst v54;
	v0 =	vsub.f32 $0.0e+00, v0;
	v5 =	vmul.f32 v5, v49;
	v59 =	vadd.f32 v11, v7  }
0x134: {  	[tilespmem:$0x82D0] =	vst v55;
	v60 =	vmul.f32 v4, v49;
	v2 =	vadd.f32 v58, v2;
	v1 =	vadd.f32 v1, v3  }
0x135: {  	[tilespmem:$0x8260] =	vst v57;
	v56 =	vsub.f32 $0.0e+00, v22;
	v61 =	vadd.f32 v59, v5  }
0x136: {  	[tilespmem:$0x82E0] =	vst v0;
	v2 =	vadd.f32 v2, v60;
	v1 =	vsub.f32 $0.0e+00, v1  }
0x137: {  	[tilespmem:$0x81E0] =	vst v56;
	v62 =	vsub.f32 $0.0e+00, v61  }
0x138: {  	v63 =	vsub.f32 $0.0e+00, v2;
	[tilespmem:$0x81F0] =	vst v1  }
0x139: {  	[tilespmem:$0x8270] =	vst v62  }
0x13a: {  	[tilespmem:$0x82F0] =	vst v63  }
0x13b: {  	[spmem:s5] =	stream.indirect.scatter.add.f32 [tilespmem:s12], [sflag:$0x2], $0x1, s26, s25, $0xb8;
	[tilespmem:$0xB500] =	vst v63  }
0x13c: {  	_ =	swait.ge [sflag:s18], $0x80  }
0x13d: {  	[sflag:s18] =	ssyncset.done $0x0  }
0x13e: {  	[sflag:s18] =	ssyncadd.s32 $0xFFFFFF80  }
0x13f: {  	[spmem:s5] =	stream.indirect.scatter.add.f32 [tilespmem:s13], [sflag:$0x2], $0x1, s29, s25, $0xb8;
	[tilespmem:$0xB500] =	vst v63  }
0x140: {  	_ =	swait.ge [sflag:s18], $0x80  }
0x141: {  	p0 =	sne.s32 s16, $0x6000;
	[sflag:s18] =	ssyncset.done $0x0  }
.Ltmp0:
0x142: {  	[sflag:s18] =	ssyncadd.s32 $0xFFFFFF80;
	(pc) =	sbr.rel @p0 .LBB2_2-.Ltmp0, $4  }
0x143: {  	[spmem:s5] =	stream.indirect.scatter.add.f32 [tilespmem:s14], [sflag:$0x2], $0x1, s31, s25, $0xb8;
	[tilespmem:$0xB500] =	vst v63  }
0x144: {  	_ =	swait.ge [sflag:s18], $0x80  }
0x145: {  	[sflag:s18] =	ssyncset.done $0x0  }
0x146: {  	s16 =	sadd.s32 $0x200, s16;
	[sflag:s18] =	ssyncadd.s32 $0xFFFFFF80  }
0x147: {  	[bflag:$0x0] =	sbarrier.arrive $0xFFFF  }
0x148: {  	s16 =	rddreg [dreg:$0xc]  }
0x149: {  	[hbm:s16], [sflag:s9] =	dma.local [spmem:s21], $0x320  }
0x14a: {  	_ =	swait.ge [sflag:s18], $0x320  }
0x14b: {  	s15 =	sadd.s32 $0x1, s15;
	s17 =	rddreg [dreg:$0xd]  }
0x14c: {  	p0 =	sne.s32 s15, s17  }
.Ltmp1:
0x14d: {  	_ = 	snop;
	(pc) =	sbr.rel @p0 .LBB2_1-.Ltmp1, $3  }
0x14e: {  	_ =	sdelay $0x1  }
0x14f: {  	[sflag:s18] =	ssyncset.done $0x0  }
0x150: {  	[sflag:s18] =	ssyncadd.s32 $0xFFFFFCE0  }
0x151: {  	_ =	sfence.sel $0x180000  }
0x152: {  	[bflag:$0x0] =	sbarrier.arrive $0xFFFF  }
0x153: {  	_ =	strace $0x90000047  }
0x154: {  	s0 =	stileid.u32;
	[bflag:$0x2] =	sbarrier.arrive $0xFFFF  }
0x155: {  	p0 =	sne.s32 s0, $0x0;
	s0 =	rddreg [dreg:$0x5]  }
0x156: {  	s0 =	sadd.s32 @!p0 $0x100000, s0  }
0x157: {  	[sflag:s0] =	ssyncadd.tile.s32 @!p0 $0x1;
	_ =	shalt  }
.Lfunc_end2:
_tile_overlayer_lowered:
.L_overlay_start_2:
0x158: {  	(tag) =	ssettag $0x2  }
0x159: {  	s0 =	rddreg [dreg:$0x0];
	s2 =	stileid.u32  }
0x15a: {  	s1 =	rddreg [dreg:$0x1];
	p0 =	sne.s32 s2, $0x0  }
0x15b: {  	s3 =	rddreg [dreg:$0x2];
	[bflag:$0x3] =	sbarrier.arrive $0xFFFF;
	s2 =	simm.s32 @!p0 $0x1C02  }
0x15c: {  	[timem:s3], [sflag:s2] =	dma.local @!p0 [hbm:s0], s1  }
0x15d: {  	s0 =	simm.s32 @!p0 $0x2  }
0x15e: {  	_ =	swait.ge @!p0 [sflag:s0], s1  }
0x15f: {  	s1 =	ssub.s32 @!p0 $0x0, s1;
	[sflag:s0] =	ssyncset.done @!p0 $0x0  }
0x160: {  	[sflag:s0] =	ssyncadd.s32 @!p0 s1  }
0x161: {  	[bflag:$0x3] =	sbarrier.arrive $0xFFFF  }
0x162: {  	_ =	shalt  }

</sc_bundles>
